<compile_context>
chip_gen: v7x
topology: tpu7x:2x2x1
jax: 0.10.2.dev20260603
libtpu: 0.0.44.dev20260713+nightly
codegen_flags: <defaults>
</compile_context>

<pallas_src>
import functools

import jax
import jax.numpy as jnp
from jax import lax
from jax.experimental import pallas as pl
from jax.experimental.pallas import tpu as pltpu
from jax.experimental.pallas import tpu_sc as plsc

NC = 2
NS = 16
NW = NC * NS

K = 128
GPG = 4
ROWS_G = K * GPG
W = 128


@functools.partial(jax.jit, static_argnames=("b", "d"))
def _gather_rows(xf, table, b, d):
    n_per_w = b // NW
    n_groups = n_per_w // ROWS_G
    mesh = plsc.VectorSubcoreMesh(core_axis_name="c", subcore_axis_name="s")

    @functools.partial(
        pl.kernel,
        out_type=jax.ShapeDtypeStruct((b, W), jnp.float32),
        mesh=mesh,
        scratch_types=[
            pltpu.VMEM((n_per_w,), jnp.float32),
            pltpu.VMEM((n_per_w,), jnp.int32),
            pltpu.VMEM((ROWS_G, d), jnp.float32),
            pltpu.VMEM((ROWS_G, d), jnp.float32),
            pltpu.SemaphoreType.DMA,
            pltpu.SemaphoreType.DMA,
            pltpu.SemaphoreType.DMA,
            pltpu.SemaphoreType.DMA,
        ],
        compiler_params=pltpu.CompilerParams(use_tc_tiling_on_sc=False),
    )
    def k(xf_hbm, table_hbm, out_hbm, idxf_v, idx_v, buf0, buf1,
          gsem0, gsem1, osem0, osem1):
        bufs = (buf0, buf1)
        gsems = (gsem0, gsem1)
        osems = (osem0, osem1)
        wid = lax.axis_index("s") * NC + lax.axis_index("c")
        pltpu.sync_copy(xf_hbm.at[pl.ds(wid * n_per_w, n_per_w)], idxf_v)

        def conv_chunk(r, c):
            for j in range(8):
                o = r * 128 + j * 16
                idx_v[pl.ds(o, 16)] = idxf_v[pl.ds(o, 16)].astype(jnp.int32)
            return c

        out_base = wid * n_per_w

        def fire_gather(g, bi):
            for j in range(GPG):
                pltpu.async_copy(
                    table_hbm.at[idx_v.at[pl.ds((g * GPG + j) * K, K)]],
                    bufs[bi].at[pl.ds(j * K, K)],
                    gsems[bi],
                )

        def wait_gather(bi):
            pltpu.make_async_copy(
                table_hbm.at[pl.ds(0, ROWS_G)], bufs[bi], gsems[bi]
            ).wait()

        def fire_out(g, bi):
            pltpu.async_copy(
                bufs[bi],
                out_hbm.at[pl.ds(out_base + g * ROWS_G, ROWS_G), pl.ds(0, d)],
                osems[bi],
            )

        def wait_out(bi):
            pltpu.make_async_copy(
                bufs[bi], out_hbm.at[pl.ds(0, ROWS_G), pl.ds(0, d)], osems[bi]
            ).wait()

        lax.fori_loop(0, 2 * ROWS_G // 128, conv_chunk, 0)
        fire_gather(0, 0)
        fire_gather(1, 1)
        lax.fori_loop(2 * ROWS_G // 128, n_per_w // 128, conv_chunk, 0)
        wait_gather(0)
        fire_out(0, 0)

        def body(i, c):
            for bi, off in ((1, 1), (0, 2)):
                g = 2 * i + off
                wait_gather(bi)
                wait_out(1 - bi)
                fire_gather(g + 1, 1 - bi)
                fire_out(g, bi)
            return c

        lax.fori_loop(0, (n_groups - 2) // 2, body, 0)

        wait_gather(1)
        wait_out(0)
        fire_out(n_groups - 1, 1)
        wait_out(1)

    return k(xf, table)


def kernel(x, table):
    b, t = x.shape
    d = table.shape[1]
    xf = x.reshape(-1).astype(jnp.float32)
    out = _gather_rows(xf, table, b * t, d)
    return out[:, :d].reshape(b, t, d)

# --- scband reference (transcript-rebuilt; emitter-appended) ---
"""Pipeline reference for scband-token-embedding-45183055954505 (READ-ONLY COPY).

The authoritative reference and input builder live on the scoring server;
editing this copy changes nothing except your own understanding.
"""

import jax, jax.numpy as jnp
import numpy as np

VOCAB_SIZE = 1000000
D_MODEL = 64
PAD_TOKEN_ID = 0


def setup_inputs(seed: int = 0) -> dict:
    key = jax.random.key(seed)
    k_idx, k_tab = jax.random.split(key)
    # token ids; padding_idx=0 may appear naturally
    x = jax.random.randint(k_idx, (4096, 200), 0, VOCAB_SIZE)
    # embedding table; nn.Embedding zero-initializes the padding_idx row
    table = jax.random.normal(k_tab, (VOCAB_SIZE, D_MODEL), dtype=jnp.float32)
    table = table.at[PAD_TOKEN_ID].set(0.0)
    return {"x": x, "table": table}


def reference(x, table):
    # nn.Embedding forward: pure row gather from the table
    return jnp.take(table, x, axis=0)

if __name__ == "__main__":
    import jax
    _d = setup_inputs()
    print(jax.jit(kernel)(*tuple(_d.values())))

</pallas_src>

<mosaic_0001>
#map = affine_map<(d0, d1) -> (0)>
#map1 = affine_map<(d0, d1) -> (0, 0)>
module attributes {stable_mosaic.version = 14 : i64} {
  func.func @k(%arg0: i32, %arg1: i32, %arg2: memref<819200xf32, #tpu.memory_space<hbm>>, %arg3: memref<1000000x64xf32, #tpu.memory_space<hbm>>, %arg4: memref<819200x128xf32, #tpu.memory_space<hbm>>, %arg5: memref<25600xf32, #tpu.memory_space<vmem>>, %arg6: memref<25600xi32, #tpu.memory_space<vmem>>, %arg7: memref<512x64xf32, #tpu.memory_space<vmem>>, %arg8: memref<512x64xf32, #tpu.memory_space<vmem>>, %arg9: memref<!tpu.dma_semaphore, #tpu.memory_space<semaphore_mem>>, %arg10: memref<!tpu.dma_semaphore, #tpu.memory_space<semaphore_mem>>, %arg11: memref<!tpu.dma_semaphore, #tpu.memory_space<semaphore_mem>>, %arg12: memref<!tpu.dma_semaphore, #tpu.memory_space<semaphore_mem>>) attributes {dimension_semantics = [#tpu.dimension_semantics<core_parallel>, #tpu.dimension_semantics<subcore_parallel>], iteration_bounds = array<i64: 2, 16>, scalar_prefetch = 0 : i64, scratch_operands = 8 : i64, tpu.core_type = #tpu.core_type<sc_vector_subcore>, window_params = [{transform_indices = #map}, {transform_indices = #map1}, {transform_indices = #map1}]} {
    %mul3A = arith.constant 2 : i32
    %mul3A_0 = arith.muli %arg1, %mul3A : i32
    %add3A = arith.addi %mul3A_0, %arg0 : i32
    %mul3A_1 = arith.constant 25600 : i32
    %mul3A_2 = arith.muli %add3A, %mul3A_1 : i32
    "tpu.region"() ({
      %run_scoped3A = tpu.sem_alloc : memref<!tpu.dma_semaphore, #tpu.memory_space<semaphore_mem>>
      %dma_start3A_120 = tpu.memref_slice %arg2[%mul3A_2] : memref<819200xf32, #tpu.memory_space<hbm>> -> memref<25600xf32, #tpu.memory_space<hbm>>
      %dma_start3A_121 = tpu.memref_slice %arg2[%mul3A_2] : memref<819200xf32, #tpu.memory_space<hbm>> -> memref<25600xf32, #tpu.memory_space<hbm>>
      tpu.enqueue_dma source(%dma_start3A_121 : memref<25600xf32, #tpu.memory_space<hbm>>) target(%arg5 : memref<25600xf32, #tpu.memory_space<vmem>>) target_semaphore(%run_scoped3A : memref<!tpu.dma_semaphore, #tpu.memory_space<semaphore_mem>>)
      %dma_wait3A_122 = tpu.memref_slice %arg2[%mul3A_2] : memref<819200xf32, #tpu.memory_space<hbm>> -> memref<25600xf32, #tpu.memory_space<hbm>>
      %dma_wait3A_123 = tpu.memref_slice %arg2[%mul3A_2] : memref<819200xf32, #tpu.memory_space<hbm>> -> memref<25600xf32, #tpu.memory_space<hbm>>
      tpu.wait_dma2 semaphore(%run_scoped3A : memref<!tpu.dma_semaphore, #tpu.memory_space<semaphore_mem>>) src(%dma_wait3A_123 : memref<25600xf32, #tpu.memory_space<hbm>>) dst(%arg5 : memref<25600xf32, #tpu.memory_space<vmem>>)
      tpu.yield
    }) : () -> ()
    %mul3A_3 = arith.constant 25600 : i32
    %mul3A_4 = arith.muli %add3A, %mul3A_3 : i32
    %scan3A = arith.constant 0 : i32
    %scan3A_5 = arith.constant 0 : i32
    %scan3A_6 = arith.constant 8 : i32
    %scan3A_7 = arith.addi %scan3A_5, %scan3A_6 : i32
    %scan3A_8 = arith.constant 1 : i32
    scf.for %scan3A_120 = %scan3A_5 to %scan3A_7 step %scan3A_8  : i32 {
      %mul3A_121 = arith.constant 128 : i32
      %mul3A_122 = arith.muli %scan3A_120, %mul3A_121 : i32
      %add3A_123 = arith.constant 0 : i32
      %add3A_124 = arith.addi %mul3A_122, %add3A_123 : i32
      %get3A = arith.index_cast %add3A_124 : i32 to index
      %get3A_125 = tpu.vector_load %arg5[%get3A] {strides = array<i32>} : memref<25600xf32, #tpu.memory_space<vmem>>, vector<16xf32>,
      %get3A_126 = vector.shape_cast %get3A_125 : vector<16xf32> to vector<16xf32>
      %convert_element_type3A = arith.fptosi %get3A_126 : vector<16xf32> to vector<16xi32>
      %swap3A = arith.index_cast %add3A_124 : i32 to index
      %swap3A_127 = tpu.vector_load %arg6[%swap3A] {strides = array<i32>} : memref<25600xi32, #tpu.memory_space<vmem>>, vector<16xi32>,
      %swap3A_128 = vector.shape_cast %swap3A_127 : vector<16xi32> to vector<16xi32>
      %swap3A_129 = vector.shape_cast %convert_element_type3A : vector<16xi32> to vector<16xi32>
      tpu.vector_store %arg6[%swap3A], %swap3A_129 {strides = array<i32>} : memref<25600xi32, #tpu.memory_space<vmem>>, vector<16xi32>,
      %mul3A_130 = arith.constant 128 : i32
      %mul3A_131 = arith.muli %scan3A_120, %mul3A_130 : i32
      %add3A_132 = arith.constant 16 : i32
      %add3A_133 = arith.addi %mul3A_131, %add3A_132 : i32
      %get3A_134 = arith.index_cast %add3A_133 : i32 to index
      %get3A_135 = tpu.vector_load %arg5[%get3A_134] {strides = array<i32>} : memref<25600xf32, #tpu.memory_space<vmem>>, vector<16xf32>,
      %get3A_136 = vector.shape_cast %get3A_135 : vector<16xf32> to vector<16xf32>
      %convert_element_type3A_137 = arith.fptosi %get3A_136 : vector<16xf32> to vector<16xi32>
      %swap3A_138 = arith.index_cast %add3A_133 : i32 to index
      %swap3A_139 = tpu.vector_load %arg6[%swap3A_138] {strides = array<i32>} : memref<25600xi32, #tpu.memory_space<vmem>>, vector<16xi32>,
      %swap3A_140 = vector.shape_cast %swap3A_139 : vector<16xi32> to vector<16xi32>
      %swap3A_141 = vector.shape_cast %convert_element_type3A_137 : vector<16xi32> to vector<16xi32>
      tpu.vector_store %arg6[%swap3A_138], %swap3A_141 {strides = array<i32>} : memref<25600xi32, #tpu.memory_space<vmem>>, vector<16xi32>,
      %mul3A_142 = arith.constant 128 : i32
      %mul3A_143 = arith.muli %scan3A_120, %mul3A_142 : i32
      %add3A_144 = arith.constant 32 : i32
      %add3A_145 = arith.addi %mul3A_143, %add3A_144 : i32
      %get3A_146 = arith.index_cast %add3A_145 : i32 to index
      %get3A_147 = tpu.vector_load %arg5[%get3A_146] {strides = array<i32>} : memref<25600xf32, #tpu.memory_space<vmem>>, vector<16xf32>,
      %get3A_148 = vector.shape_cast %get3A_147 : vector<16xf32> to vector<16xf32>
      %convert_element_type3A_149 = arith.fptosi %get3A_148 : vector<16xf32> to vector<16xi32>
      %swap3A_150 = arith.index_cast %add3A_145 : i32 to index
      %swap3A_151 = tpu.vector_load %arg6[%swap3A_150] {strides = array<i32>} : memref<25600xi32, #tpu.memory_space<vmem>>, vector<16xi32>,
      %swap3A_152 = vector.shape_cast %swap3A_151 : vector<16xi32> to vector<16xi32>
      %swap3A_153 = vector.shape_cast %convert_element_type3A_149 : vector<16xi32> to vector<16xi32>
      tpu.vector_store %arg6[%swap3A_150], %swap3A_153 {strides = array<i32>} : memref<25600xi32, #tpu.memory_space<vmem>>, vector<16xi32>,
      %mul3A_154 = arith.constant 128 : i32
      %mul3A_155 = arith.muli %scan3A_120, %mul3A_154 : i32
      %add3A_156 = arith.constant 48 : i32
      %add3A_157 = arith.addi %mul3A_155, %add3A_156 : i32
      %get3A_158 = arith.index_cast %add3A_157 : i32 to index
      %get3A_159 = tpu.vector_load %arg5[%get3A_158] {strides = array<i32>} : memref<25600xf32, #tpu.memory_space<vmem>>, vector<16xf32>,
      %get3A_160 = vector.shape_cast %get3A_159 : vector<16xf32> to vector<16xf32>
      %convert_element_type3A_161 = arith.fptosi %get3A_160 : vector<16xf32> to vector<16xi32>
      %swap3A_162 = arith.index_cast %add3A_157 : i32 to index
      %swap3A_163 = tpu.vector_load %arg6[%swap3A_162] {strides = array<i32>} : memref<25600xi32, #tpu.memory_space<vmem>>, vector<16xi32>,
      %swap3A_164 = vector.shape_cast %swap3A_163 : vector<16xi32> to vector<16xi32>
      %swap3A_165 = vector.shape_cast %convert_element_type3A_161 : vector<16xi32> to vector<16xi32>
      tpu.vector_store %arg6[%swap3A_162], %swap3A_165 {strides = array<i32>} : memref<25600xi32, #tpu.memory_space<vmem>>, vector<16xi32>,
      %mul3A_166 = arith.constant 128 : i32
      %mul3A_167 = arith.muli %scan3A_120, %mul3A_166 : i32
      %add3A_168 = arith.constant 64 : i32
      %add3A_169 = arith.addi %mul3A_167, %add3A_168 : i32
      %get3A_170 = arith.index_cast %add3A_169 : i32 to index
      %get3A_171 = tpu.vector_load %arg5[%get3A_170] {strides = array<i32>} : memref<25600xf32, #tpu.memory_space<vmem>>, vector<16xf32>,
      %get3A_172 = vector.shape_cast %get3A_171 : vector<16xf32> to vector<16xf32>
      %convert_element_type3A_173 = arith.fptosi %get3A_172 : vector<16xf32> to vector<16xi32>
      %swap3A_174 = arith.index_cast %add3A_169 : i32 to index
      %swap3A_175 = tpu.vector_load %arg6[%swap3A_174] {strides = array<i32>} : memref<25600xi32, #tpu.memory_space<vmem>>, vector<16xi32>,
      %swap3A_176 = vector.shape_cast %swap3A_175 : vector<16xi32> to vector<16xi32>
      %swap3A_177 = vector.shape_cast %convert_element_type3A_173 : vector<16xi32> to vector<16xi32>
      tpu.vector_store %arg6[%swap3A_174], %swap3A_177 {strides = array<i32>} : memref<25600xi32, #tpu.memory_space<vmem>>, vector<16xi32>,
      %mul3A_178 = arith.constant 128 : i32
      %mul3A_179 = arith.muli %scan3A_120, %mul3A_178 : i32
      %add3A_180 = arith.constant 80 : i32
      %add3A_181 = arith.addi %mul3A_179, %add3A_180 : i32
      %get3A_182 = arith.index_cast %add3A_181 : i32 to index
      %get3A_183 = tpu.vector_load %arg5[%get3A_182] {strides = array<i32>} : memref<25600xf32, #tpu.memory_space<vmem>>, vector<16xf32>,
      %get3A_184 = vector.shape_cast %get3A_183 : vector<16xf32> to vector<16xf32>
      %convert_element_type3A_185 = arith.fptosi %get3A_184 : vector<16xf32> to vector<16xi32>
      %swap3A_186 = arith.index_cast %add3A_181 : i32 to index
      %swap3A_187 = tpu.vector_load %arg6[%swap3A_186] {strides = array<i32>} : memref<25600xi32, #tpu.memory_space<vmem>>, vector<16xi32>,
      %swap3A_188 = vector.shape_cast %swap3A_187 : vector<16xi32> to vector<16xi32>
      %swap3A_189 = vector.shape_cast %convert_element_type3A_185 : vector<16xi32> to vector<16xi32>
      tpu.vector_store %arg6[%swap3A_186], %swap3A_189 {strides = array<i32>} : memref<25600xi32, #tpu.memory_space<vmem>>, vector<16xi32>,
      %mul3A_190 = arith.constant 128 : i32
      %mul3A_191 = arith.muli %scan3A_120, %mul3A_190 : i32
      %add3A_192 = arith.constant 96 : i32
      %add3A_193 = arith.addi %mul3A_191, %add3A_192 : i32
      %get3A_194 = arith.index_cast %add3A_193 : i32 to index
      %get3A_195 = tpu.vector_load %arg5[%get3A_194] {strides = array<i32>} : memref<25600xf32, #tpu.memory_space<vmem>>, vector<16xf32>,
      %get3A_196 = vector.shape_cast %get3A_195 : vector<16xf32> to vector<16xf32>
      %convert_element_type3A_197 = arith.fptosi %get3A_196 : vector<16xf32> to vector<16xi32>
      %swap3A_198 = arith.index_cast %add3A_193 : i32 to index
      %swap3A_199 = tpu.vector_load %arg6[%swap3A_198] {strides = array<i32>} : memref<25600xi32, #tpu.memory_space<vmem>>, vector<16xi32>,
      %swap3A_200 = vector.shape_cast %swap3A_199 : vector<16xi32> to vector<16xi32>
      %swap3A_201 = vector.shape_cast %convert_element_type3A_197 : vector<16xi32> to vector<16xi32>
      tpu.vector_store %arg6[%swap3A_198], %swap3A_201 {strides = array<i32>} : memref<25600xi32, #tpu.memory_space<vmem>>, vector<16xi32>,
      %mul3A_202 = arith.constant 128 : i32
      %mul3A_203 = arith.muli %scan3A_120, %mul3A_202 : i32
      %add3A_204 = arith.constant 112 : i32
      %add3A_205 = arith.addi %mul3A_203, %add3A_204 : i32
      %get3A_206 = arith.index_cast %add3A_205 : i32 to index
      %get3A_207 = tpu.vector_load %arg5[%get3A_206] {strides = array<i32>} : memref<25600xf32, #tpu.memory_space<vmem>>, vector<16xf32>,
      %get3A_208 = vector.shape_cast %get3A_207 : vector<16xf32> to vector<16xf32>
      %convert_element_type3A_209 = arith.fptosi %get3A_208 : vector<16xf32> to vector<16xi32>
      %swap3A_210 = arith.index_cast %add3A_205 : i32 to index
      %swap3A_211 = tpu.vector_load %arg6[%swap3A_210] {strides = array<i32>} : memref<25600xi32, #tpu.memory_space<vmem>>, vector<16xi32>,
      %swap3A_212 = vector.shape_cast %swap3A_211 : vector<16xi32> to vector<16xi32>
      %swap3A_213 = vector.shape_cast %convert_element_type3A_209 : vector<16xi32> to vector<16xi32>
      tpu.vector_store %arg6[%swap3A_210], %swap3A_213 {strides = array<i32>} : memref<25600xi32, #tpu.memory_space<vmem>>, vector<16xi32>,
    }
    %scan3A_9 = arith.constant 8 : i32
    %dma_start3A = arith.constant 0 : i32
    %dma_start3A_10 = arith.constant 0 : i32
    %dma_start3A_11 = tpu.memref_slice %arg7[%dma_start3A, %dma_start3A_10] : memref<512x64xf32, #tpu.memory_space<vmem>> -> memref<128x64xf32, #tpu.memory_space<vmem>>
    %dma_start3A_12 = arith.constant 0 : i32
    %dma_start3A_13 = tpu.memref_slice %arg6[%dma_start3A_12] : memref<25600xi32, #tpu.memory_space<vmem>> -> memref<128xi32, #tpu.memory_space<vmem>>
    %dma_start3A_14 = arith.constant 0 : i32
    %dma_start3A_15 = arith.constant 0 : i32
    %dma_start3A_16 = tpu.memref_slice %arg3[%dma_start3A_14, %dma_start3A_15] : memref<1000000x64xf32, #tpu.memory_space<hbm>> -> memref<1000000x64xf32, #tpu.memory_space<hbm>>
    tpu.enqueue_indirect_dma source(%dma_start3A_16 : memref<1000000x64xf32, #tpu.memory_space<hbm>>) target(%dma_start3A_11 : memref<128x64xf32, #tpu.memory_space<vmem>>) offsets(%dma_start3A_13 : memref<128xi32, #tpu.memory_space<vmem>>) semaphore(%arg9 : memref<!tpu.dma_semaphore, #tpu.memory_space<semaphore_mem>>)
    %dma_start3A_17 = arith.constant 128 : i32
    %dma_start3A_18 = arith.constant 0 : i32
    %dma_start3A_19 = tpu.memref_slice %arg7[%dma_start3A_17, %dma_start3A_18] : memref<512x64xf32, #tpu.memory_space<vmem>> -> memref<128x64xf32, #tpu.memory_space<vmem>>
    %dma_start3A_20 = arith.constant 128 : i32
    %dma_start3A_21 = tpu.memref_slice %arg6[%dma_start3A_20] : memref<25600xi32, #tpu.memory_space<vmem>> -> memref<128xi32, #tpu.memory_space<vmem>>
    %dma_start3A_22 = arith.constant 0 : i32
    %dma_start3A_23 = arith.constant 0 : i32
    %dma_start3A_24 = tpu.memref_slice %arg3[%dma_start3A_22, %dma_start3A_23] : memref<1000000x64xf32, #tpu.memory_space<hbm>> -> memref<1000000x64xf32, #tpu.memory_space<hbm>>
    tpu.enqueue_indirect_dma source(%dma_start3A_24 : memref<1000000x64xf32, #tpu.memory_space<hbm>>) target(%dma_start3A_19 : memref<128x64xf32, #tpu.memory_space<vmem>>) offsets(%dma_start3A_21 : memref<128xi32, #tpu.memory_space<vmem>>) semaphore(%arg9 : memref<!tpu.dma_semaphore, #tpu.memory_space<semaphore_mem>>)
    %dma_start3A_25 = arith.constant 256 : i32
    %dma_start3A_26 = arith.constant 0 : i32
    %dma_start3A_27 = tpu.memref_slice %arg7[%dma_start3A_25, %dma_start3A_26] : memref<512x64xf32, #tpu.memory_space<vmem>> -> memref<128x64xf32, #tpu.memory_space<vmem>>
    %dma_start3A_28 = arith.constant 256 : i32
    %dma_start3A_29 = tpu.memref_slice %arg6[%dma_start3A_28] : memref<25600xi32, #tpu.memory_space<vmem>> -> memref<128xi32, #tpu.memory_space<vmem>>
    %dma_start3A_30 = arith.constant 0 : i32
    %dma_start3A_31 = arith.constant 0 : i32
    %dma_start3A_32 = tpu.memref_slice %arg3[%dma_start3A_30, %dma_start3A_31] : memref<1000000x64xf32, #tpu.memory_space<hbm>> -> memref<1000000x64xf32, #tpu.memory_space<hbm>>
    tpu.enqueue_indirect_dma source(%dma_start3A_32 : memref<1000000x64xf32, #tpu.memory_space<hbm>>) target(%dma_start3A_27 : memref<128x64xf32, #tpu.memory_space<vmem>>) offsets(%dma_start3A_29 : memref<128xi32, #tpu.memory_space<vmem>>) semaphore(%arg9 : memref<!tpu.dma_semaphore, #tpu.memory_space<semaphore_mem>>)
    %dma_start3A_33 = arith.constant 384 : i32
    %dma_start3A_34 = arith.constant 0 : i32
    %dma_start3A_35 = tpu.memref_slice %arg7[%dma_start3A_33, %dma_start3A_34] : memref<512x64xf32, #tpu.memory_space<vmem>> -> memref<128x64xf32, #tpu.memory_space<vmem>>
    %dma_start3A_36 = arith.constant 384 : i32
    %dma_start3A_37 = tpu.memref_slice %arg6[%dma_start3A_36] : memref<25600xi32, #tpu.memory_space<vmem>> -> memref<128xi32, #tpu.memory_space<vmem>>
    %dma_start3A_38 = arith.constant 0 : i32
    %dma_start3A_39 = arith.constant 0 : i32
    %dma_start3A_40 = tpu.memref_slice %arg3[%dma_start3A_38, %dma_start3A_39] : memref<1000000x64xf32, #tpu.memory_space<hbm>> -> memref<1000000x64xf32, #tpu.memory_space<hbm>>
    tpu.enqueue_indirect_dma source(%dma_start3A_40 : memref<1000000x64xf32, #tpu.memory_space<hbm>>) target(%dma_start3A_35 : memref<128x64xf32, #tpu.memory_space<vmem>>) offsets(%dma_start3A_37 : memref<128xi32, #tpu.memory_space<vmem>>) semaphore(%arg9 : memref<!tpu.dma_semaphore, #tpu.memory_space<semaphore_mem>>)
    %dma_start3A_41 = arith.constant 0 : i32
    %dma_start3A_42 = arith.constant 0 : i32
    %dma_start3A_43 = tpu.memref_slice %arg8[%dma_start3A_41, %dma_start3A_42] : memref<512x64xf32, #tpu.memory_space<vmem>> -> memref<128x64xf32, #tpu.memory_space<vmem>>
    %dma_start3A_44 = arith.constant 512 : i32
    %dma_start3A_45 = tpu.memref_slice %arg6[%dma_start3A_44] : memref<25600xi32, #tpu.memory_space<vmem>> -> memref<128xi32, #tpu.memory_space<vmem>>
    %dma_start3A_46 = arith.constant 0 : i32
    %dma_start3A_47 = arith.constant 0 : i32
    %dma_start3A_48 = tpu.memref_slice %arg3[%dma_start3A_46, %dma_start3A_47] : memref<1000000x64xf32, #tpu.memory_space<hbm>> -> memref<1000000x64xf32, #tpu.memory_space<hbm>>
    tpu.enqueue_indirect_dma source(%dma_start3A_48 : memref<1000000x64xf32, #tpu.memory_space<hbm>>) target(%dma_start3A_43 : memref<128x64xf32, #tpu.memory_space<vmem>>) offsets(%dma_start3A_45 : memref<128xi32, #tpu.memory_space<vmem>>) semaphore(%arg10 : memref<!tpu.dma_semaphore, #tpu.memory_space<semaphore_mem>>)
    %dma_start3A_49 = arith.constant 128 : i32
    %dma_start3A_50 = arith.constant 0 : i32
    %dma_start3A_51 = tpu.memref_slice %arg8[%dma_start3A_49, %dma_start3A_50] : memref<512x64xf32, #tpu.memory_space<vmem>> -> memref<128x64xf32, #tpu.memory_space<vmem>>
    %dma_start3A_52 = arith.constant 640 : i32
    %dma_start3A_53 = tpu.memref_slice %arg6[%dma_start3A_52] : memref<25600xi32, #tpu.memory_space<vmem>> -> memref<128xi32, #tpu.memory_space<vmem>>
    %dma_start3A_54 = arith.constant 0 : i32
    %dma_start3A_55 = arith.constant 0 : i32
    %dma_start3A_56 = tpu.memref_slice %arg3[%dma_start3A_54, %dma_start3A_55] : memref<1000000x64xf32, #tpu.memory_space<hbm>> -> memref<1000000x64xf32, #tpu.memory_space<hbm>>
    tpu.enqueue_indirect_dma source(%dma_start3A_56 : memref<1000000x64xf32, #tpu.memory_space<hbm>>) target(%dma_start3A_51 : memref<128x64xf32, #tpu.memory_space<vmem>>) offsets(%dma_start3A_53 : memref<128xi32, #tpu.memory_space<vmem>>) semaphore(%arg10 : memref<!tpu.dma_semaphore, #tpu.memory_space<semaphore_mem>>)
    %dma_start3A_57 = arith.constant 256 : i32
    %dma_start3A_58 = arith.constant 0 : i32
    %dma_start3A_59 = tpu.memref_slice %arg8[%dma_start3A_57, %dma_start3A_58] : memref<512x64xf32, #tpu.memory_space<vmem>> -> memref<128x64xf32, #tpu.memory_space<vmem>>
    %dma_start3A_60 = arith.constant 768 : i32
    %dma_start3A_61 = tpu.memref_slice %arg6[%dma_start3A_60] : memref<25600xi32, #tpu.memory_space<vmem>> -> memref<128xi32, #tpu.memory_space<vmem>>
    %dma_start3A_62 = arith.constant 0 : i32
    %dma_start3A_63 = arith.constant 0 : i32
    %dma_start3A_64 = tpu.memref_slice %arg3[%dma_start3A_62, %dma_start3A_63] : memref<1000000x64xf32, #tpu.memory_space<hbm>> -> memref<1000000x64xf32, #tpu.memory_space<hbm>>
    tpu.enqueue_indirect_dma source(%dma_start3A_64 : memref<1000000x64xf32, #tpu.memory_space<hbm>>) target(%dma_start3A_59 : memref<128x64xf32, #tpu.memory_space<vmem>>) offsets(%dma_start3A_61 : memref<128xi32, #tpu.memory_space<vmem>>) semaphore(%arg10 : memref<!tpu.dma_semaphore, #tpu.memory_space<semaphore_mem>>)
    %dma_start3A_65 = arith.constant 384 : i32
    %dma_start3A_66 = arith.constant 0 : i32
    %dma_start3A_67 = tpu.memref_slice %arg8[%dma_start3A_65, %dma_start3A_66] : memref<512x64xf32, #tpu.memory_space<vmem>> -> memref<128x64xf32, #tpu.memory_space<vmem>>
    %dma_start3A_68 = arith.constant 896 : i32
    %dma_start3A_69 = tpu.memref_slice %arg6[%dma_start3A_68] : memref<25600xi32, #tpu.memory_space<vmem>> -> memref<128xi32, #tpu.memory_space<vmem>>
    %dma_start3A_70 = arith.constant 0 : i32
    %dma_start3A_71 = arith.constant 0 : i32
    %dma_start3A_72 = tpu.memref_slice %arg3[%dma_start3A_70, %dma_start3A_71] : memref<1000000x64xf32, #tpu.memory_space<hbm>> -> memref<1000000x64xf32, #tpu.memory_space<hbm>>
    tpu.enqueue_indirect_dma source(%dma_start3A_72 : memref<1000000x64xf32, #tpu.memory_space<hbm>>) target(%dma_start3A_67 : memref<128x64xf32, #tpu.memory_space<vmem>>) offsets(%dma_start3A_69 : memref<128xi32, #tpu.memory_space<vmem>>) semaphore(%arg10 : memref<!tpu.dma_semaphore, #tpu.memory_space<semaphore_mem>>)
    %scan3A_73 = arith.constant 0 : i32
    %scan3A_74 = arith.constant 8 : i32
    %scan3A_75 = arith.constant 192 : i32
    %scan3A_76 = arith.addi %scan3A_74, %scan3A_75 : i32
    %scan3A_77 = arith.constant 1 : i32
    scf.for %scan3A_120 = %scan3A_74 to %scan3A_76 step %scan3A_77  : i32 {
      %mul3A_121 = arith.constant 128 : i32
      %mul3A_122 = arith.muli %scan3A_120, %mul3A_121 : i32
      %add3A_123 = arith.constant 0 : i32
      %add3A_124 = arith.addi %mul3A_122, %add3A_123 : i32
      %get3A = arith.index_cast %add3A_124 : i32 to index
      %get3A_125 = tpu.vector_load %arg5[%get3A] {strides = array<i32>} : memref<25600xf32, #tpu.memory_space<vmem>>, vector<16xf32>,
      %get3A_126 = vector.shape_cast %get3A_125 : vector<16xf32> to vector<16xf32>
      %convert_element_type3A = arith.fptosi %get3A_126 : vector<16xf32> to vector<16xi32>
      %swap3A = arith.index_cast %add3A_124 : i32 to index
      %swap3A_127 = tpu.vector_load %arg6[%swap3A] {strides = array<i32>} : memref<25600xi32, #tpu.memory_space<vmem>>, vector<16xi32>,
      %swap3A_128 = vector.shape_cast %swap3A_127 : vector<16xi32> to vector<16xi32>
      %swap3A_129 = vector.shape_cast %convert_element_type3A : vector<16xi32> to vector<16xi32>
      tpu.vector_store %arg6[%swap3A], %swap3A_129 {strides = array<i32>} : memref<25600xi32, #tpu.memory_space<vmem>>, vector<16xi32>,
      %mul3A_130 = arith.constant 128 : i32
      %mul3A_131 = arith.muli %scan3A_120, %mul3A_130 : i32
      %add3A_132 = arith.constant 16 : i32
      %add3A_133 = arith.addi %mul3A_131, %add3A_132 : i32
      %get3A_134 = arith.index_cast %add3A_133 : i32 to index
      %get3A_135 = tpu.vector_load %arg5[%get3A_134] {strides = array<i32>} : memref<25600xf32, #tpu.memory_space<vmem>>, vector<16xf32>,
      %get3A_136 = vector.shape_cast %get3A_135 : vector<16xf32> to vector<16xf32>
      %convert_element_type3A_137 = arith.fptosi %get3A_136 : vector<16xf32> to vector<16xi32>
      %swap3A_138 = arith.index_cast %add3A_133 : i32 to index
      %swap3A_139 = tpu.vector_load %arg6[%swap3A_138] {strides = array<i32>} : memref<25600xi32, #tpu.memory_space<vmem>>, vector<16xi32>,
      %swap3A_140 = vector.shape_cast %swap3A_139 : vector<16xi32> to vector<16xi32>
      %swap3A_141 = vector.shape_cast %convert_element_type3A_137 : vector<16xi32> to vector<16xi32>
      tpu.vector_store %arg6[%swap3A_138], %swap3A_141 {strides = array<i32>} : memref<25600xi32, #tpu.memory_space<vmem>>, vector<16xi32>,
      %mul3A_142 = arith.constant 128 : i32
      %mul3A_143 = arith.muli %scan3A_120, %mul3A_142 : i32
      %add3A_144 = arith.constant 32 : i32
      %add3A_145 = arith.addi %mul3A_143, %add3A_144 : i32
      %get3A_146 = arith.index_cast %add3A_145 : i32 to index
      %get3A_147 = tpu.vector_load %arg5[%get3A_146] {strides = array<i32>} : memref<25600xf32, #tpu.memory_space<vmem>>, vector<16xf32>,
      %get3A_148 = vector.shape_cast %get3A_147 : vector<16xf32> to vector<16xf32>
      %convert_element_type3A_149 = arith.fptosi %get3A_148 : vector<16xf32> to vector<16xi32>
      %swap3A_150 = arith.index_cast %add3A_145 : i32 to index
      %swap3A_151 = tpu.vector_load %arg6[%swap3A_150] {strides = array<i32>} : memref<25600xi32, #tpu.memory_space<vmem>>, vector<16xi32>,
      %swap3A_152 = vector.shape_cast %swap3A_151 : vector<16xi32> to vector<16xi32>
      %swap3A_153 = vector.shape_cast %convert_element_type3A_149 : vector<16xi32> to vector<16xi32>
      tpu.vector_store %arg6[%swap3A_150], %swap3A_153 {strides = array<i32>} : memref<25600xi32, #tpu.memory_space<vmem>>, vector<16xi32>,
      %mul3A_154 = arith.constant 128 : i32
      %mul3A_155 = arith.muli %scan3A_120, %mul3A_154 : i32
      %add3A_156 = arith.constant 48 : i32
      %add3A_157 = arith.addi %mul3A_155, %add3A_156 : i32
      %get3A_158 = arith.index_cast %add3A_157 : i32 to index
      %get3A_159 = tpu.vector_load %arg5[%get3A_158] {strides = array<i32>} : memref<25600xf32, #tpu.memory_space<vmem>>, vector<16xf32>,
      %get3A_160 = vector.shape_cast %get3A_159 : vector<16xf32> to vector<16xf32>
      %convert_element_type3A_161 = arith.fptosi %get3A_160 : vector<16xf32> to vector<16xi32>
      %swap3A_162 = arith.index_cast %add3A_157 : i32 to index
      %swap3A_163 = tpu.vector_load %arg6[%swap3A_162] {strides = array<i32>} : memref<25600xi32, #tpu.memory_space<vmem>>, vector<16xi32>,
      %swap3A_164 = vector.shape_cast %swap3A_163 : vector<16xi32> to vector<16xi32>
      %swap3A_165 = vector.shape_cast %convert_element_type3A_161 : vector<16xi32> to vector<16xi32>
      tpu.vector_store %arg6[%swap3A_162], %swap3A_165 {strides = array<i32>} : memref<25600xi32, #tpu.memory_space<vmem>>, vector<16xi32>,
      %mul3A_166 = arith.constant 128 : i32
      %mul3A_167 = arith.muli %scan3A_120, %mul3A_166 : i32
      %add3A_168 = arith.constant 64 : i32
      %add3A_169 = arith.addi %mul3A_167, %add3A_168 : i32
      %get3A_170 = arith.index_cast %add3A_169 : i32 to index
      %get3A_171 = tpu.vector_load %arg5[%get3A_170] {strides = array<i32>} : memref<25600xf32, #tpu.memory_space<vmem>>, vector<16xf32>,
      %get3A_172 = vector.shape_cast %get3A_171 : vector<16xf32> to vector<16xf32>
      %convert_element_type3A_173 = arith.fptosi %get3A_172 : vector<16xf32> to vector<16xi32>
      %swap3A_174 = arith.index_cast %add3A_169 : i32 to index
      %swap3A_175 = tpu.vector_load %arg6[%swap3A_174] {strides = array<i32>} : memref<25600xi32, #tpu.memory_space<vmem>>, vector<16xi32>,
      %swap3A_176 = vector.shape_cast %swap3A_175 : vector<16xi32> to vector<16xi32>
      %swap3A_177 = vector.shape_cast %convert_element_type3A_173 : vector<16xi32> to vector<16xi32>
      tpu.vector_store %arg6[%swap3A_174], %swap3A_177 {strides = array<i32>} : memref<25600xi32, #tpu.memory_space<vmem>>, vector<16xi32>,
      %mul3A_178 = arith.constant 128 : i32
      %mul3A_179 = arith.muli %scan3A_120, %mul3A_178 : i32
      %add3A_180 = arith.constant 80 : i32
      %add3A_181 = arith.addi %mul3A_179, %add3A_180 : i32
      %get3A_182 = arith.index_cast %add3A_181 : i32 to index
      %get3A_183 = tpu.vector_load %arg5[%get3A_182] {strides = array<i32>} : memref<25600xf32, #tpu.memory_space<vmem>>, vector<16xf32>,
      %get3A_184 = vector.shape_cast %get3A_183 : vector<16xf32> to vector<16xf32>
      %convert_element_type3A_185 = arith.fptosi %get3A_184 : vector<16xf32> to vector<16xi32>
      %swap3A_186 = arith.index_cast %add3A_181 : i32 to index
      %swap3A_187 = tpu.vector_load %arg6[%swap3A_186] {strides = array<i32>} : memref<25600xi32, #tpu.memory_space<vmem>>, vector<16xi32>,
      %swap3A_188 = vector.shape_cast %swap3A_187 : vector<16xi32> to vector<16xi32>
      %swap3A_189 = vector.shape_cast %convert_element_type3A_185 : vector<16xi32> to vector<16xi32>
      tpu.vector_store %arg6[%swap3A_186], %swap3A_189 {strides = array<i32>} : memref<25600xi32, #tpu.memory_space<vmem>>, vector<16xi32>,
      %mul3A_190 = arith.constant 128 : i32
      %mul3A_191 = arith.muli %scan3A_120, %mul3A_190 : i32
      %add3A_192 = arith.constant 96 : i32
      %add3A_193 = arith.addi %mul3A_191, %add3A_192 : i32
      %get3A_194 = arith.index_cast %add3A_193 : i32 to index
      %get3A_195 = tpu.vector_load %arg5[%get3A_194] {strides = array<i32>} : memref<25600xf32, #tpu.memory_space<vmem>>, vector<16xf32>,
      %get3A_196 = vector.shape_cast %get3A_195 : vector<16xf32> to vector<16xf32>
      %convert_element_type3A_197 = arith.fptosi %get3A_196 : vector<16xf32> to vector<16xi32>
      %swap3A_198 = arith.index_cast %add3A_193 : i32 to index
      %swap3A_199 = tpu.vector_load %arg6[%swap3A_198] {strides = array<i32>} : memref<25600xi32, #tpu.memory_space<vmem>>, vector<16xi32>,
      %swap3A_200 = vector.shape_cast %swap3A_199 : vector<16xi32> to vector<16xi32>
      %swap3A_201 = vector.shape_cast %convert_element_type3A_197 : vector<16xi32> to vector<16xi32>
      tpu.vector_store %arg6[%swap3A_198], %swap3A_201 {strides = array<i32>} : memref<25600xi32, #tpu.memory_space<vmem>>, vector<16xi32>,
      %mul3A_202 = arith.constant 128 : i32
      %mul3A_203 = arith.muli %scan3A_120, %mul3A_202 : i32
      %add3A_204 = arith.constant 112 : i32
      %add3A_205 = arith.addi %mul3A_203, %add3A_204 : i32
      %get3A_206 = arith.index_cast %add3A_205 : i32 to index
      %get3A_207 = tpu.vector_load %arg5[%get3A_206] {strides = array<i32>} : memref<25600xf32, #tpu.memory_space<vmem>>, vector<16xf32>,
      %get3A_208 = vector.shape_cast %get3A_207 : vector<16xf32> to vector<16xf32>
      %convert_element_type3A_209 = arith.fptosi %get3A_208 : vector<16xf32> to vector<16xi32>
      %swap3A_210 = arith.index_cast %add3A_205 : i32 to index
      %swap3A_211 = tpu.vector_load %arg6[%swap3A_210] {strides = array<i32>} : memref<25600xi32, #tpu.memory_space<vmem>>, vector<16xi32>,
      %swap3A_212 = vector.shape_cast %swap3A_211 : vector<16xi32> to vector<16xi32>
      %swap3A_213 = vector.shape_cast %convert_element_type3A_209 : vector<16xi32> to vector<16xi32>
      tpu.vector_store %arg6[%swap3A_210], %swap3A_213 {strides = array<i32>} : memref<25600xi32, #tpu.memory_space<vmem>>, vector<16xi32>,
    }
    %scan3A_78 = arith.constant 192 : i32
    %dma_wait3A = arith.constant 0 : i32
    %dma_wait3A_79 = arith.constant 0 : i32
    %dma_wait3A_80 = tpu.memref_slice %arg3[%dma_wait3A, %dma_wait3A_79] : memref<1000000x64xf32, #tpu.memory_space<hbm>> -> memref<512x64xf32, #tpu.memory_space<hbm>>
    %dma_wait3A_81 = arith.constant 0 : i32
    %dma_wait3A_82 = arith.constant 0 : i32
    %dma_wait3A_83 = tpu.memref_slice %arg3[%dma_wait3A_81, %dma_wait3A_82] : memref<1000000x64xf32, #tpu.memory_space<hbm>> -> memref<512x64xf32, #tpu.memory_space<hbm>>
    tpu.wait_dma2 semaphore(%arg9 : memref<!tpu.dma_semaphore, #tpu.memory_space<semaphore_mem>>) src(%dma_wait3A_83 : memref<512x64xf32, #tpu.memory_space<hbm>>) dst(%arg7 : memref<512x64xf32, #tpu.memory_space<vmem>>)
    %add3A_84 = arith.constant 0 : i32
    %add3A_85 = arith.addi %mul3A_4, %add3A_84 : i32
    %dma_start3A_86 = arith.constant 0 : i32
    %dma_start3A_87 = tpu.memref_slice %arg4[%add3A_85, %dma_start3A_86] : memref<819200x128xf32, #tpu.memory_space<hbm>> -> memref<512x64xf32, #tpu.memory_space<hbm>>
    %dma_start3A_88 = arith.constant 0 : i32
    %dma_start3A_89 = tpu.memref_slice %arg4[%add3A_85, %dma_start3A_88] : memref<819200x128xf32, #tpu.memory_space<hbm>> -> memref<512x64xf32, #tpu.memory_space<hbm>>
    tpu.enqueue_dma source(%arg7 : memref<512x64xf32, #tpu.memory_space<vmem>>) target(%dma_start3A_89 : memref<512x64xf32, #tpu.memory_space<hbm>>) target_semaphore(%arg11 : memref<!tpu.dma_semaphore, #tpu.memory_space<semaphore_mem>>)
    %scan3A_90 = arith.constant 0 : i32
    %scan3A_91 = arith.constant 0 : i32
    %scan3A_92 = arith.constant 24 : i32
    %scan3A_93 = arith.addi %scan3A_91, %scan3A_92 : i32
    %scan3A_94 = arith.constant 1 : i32
    scf.for %scan3A_120 = %scan3A_91 to %scan3A_93 step %scan3A_94  : i32 {
      %mul3A_121 = arith.constant 2 : i32
      %mul3A_122 = arith.muli %mul3A_121, %scan3A_120 : i32
      %add3A_123 = arith.constant 1 : i32
      %add3A_124 = arith.addi %mul3A_122, %add3A_123 : i32
      %dma_wait3A_125 = arith.constant 0 : i32
      %dma_wait3A_126 = arith.constant 0 : i32
      %dma_wait3A_127 = tpu.memref_slice %arg3[%dma_wait3A_125, %dma_wait3A_126] : memref<1000000x64xf32, #tpu.memory_space<hbm>> -> memref<512x64xf32, #tpu.memory_space<hbm>>
      %dma_wait3A_128 = arith.constant 0 : i32
      %dma_wait3A_129 = arith.constant 0 : i32
      %dma_wait3A_130 = tpu.memref_slice %arg3[%dma_wait3A_128, %dma_wait3A_129] : memref<1000000x64xf32, #tpu.memory_space<hbm>> -> memref<512x64xf32, #tpu.memory_space<hbm>>
      tpu.wait_dma2 semaphore(%arg10 : memref<!tpu.dma_semaphore, #tpu.memory_space<semaphore_mem>>) src(%dma_wait3A_130 : memref<512x64xf32, #tpu.memory_space<hbm>>) dst(%arg8 : memref<512x64xf32, #tpu.memory_space<vmem>>)
      %dma_wait3A_131 = arith.constant 0 : i32
      %dma_wait3A_132 = arith.constant 0 : i32
      %dma_wait3A_133 = tpu.memref_slice %arg4[%dma_wait3A_131, %dma_wait3A_132] : memref<819200x128xf32, #tpu.memory_space<hbm>> -> memref<512x64xf32, #tpu.memory_space<hbm>>
      %dma_wait3A_134 = arith.constant 0 : i32
      %dma_wait3A_135 = arith.constant 0 : i32
      %dma_wait3A_136 = tpu.memref_slice %arg4[%dma_wait3A_134, %dma_wait3A_135] : memref<819200x128xf32, #tpu.memory_space<hbm>> -> memref<512x64xf32, #tpu.memory_space<hbm>>
      tpu.wait_dma2 semaphore(%arg11 : memref<!tpu.dma_semaphore, #tpu.memory_space<semaphore_mem>>) src(%arg7 : memref<512x64xf32, #tpu.memory_space<vmem>>) dst(%dma_wait3A_136 : memref<512x64xf32, #tpu.memory_space<hbm>>)
      %add3A_137 = arith.constant 1 : i32
      %add3A_138 = arith.addi %add3A_124, %add3A_137 : i32
      %mul3A_139 = arith.constant 4 : i32
      %mul3A_140 = arith.muli %add3A_138, %mul3A_139 : i32
      %add3A_141 = arith.constant 0 : i32
      %add3A_142 = arith.addi %mul3A_140, %add3A_141 : i32
      %mul3A_143 = arith.constant 128 : i32
      %mul3A_144 = arith.muli %add3A_142, %mul3A_143 : i32
      %dma_start3A_145 = arith.constant 0 : i32
      %dma_start3A_146 = arith.constant 0 : i32
      %dma_start3A_147 = tpu.memref_slice %arg7[%dma_start3A_145, %dma_start3A_146] : memref<512x64xf32, #tpu.memory_space<vmem>> -> memref<128x64xf32, #tpu.memory_space<vmem>>
      %dma_start3A_148 = tpu.memref_slice %arg6[%mul3A_144] : memref<25600xi32, #tpu.memory_space<vmem>> -> memref<128xi32, #tpu.memory_space<vmem>>
      %dma_start3A_149 = arith.constant 0 : i32
      %dma_start3A_150 = arith.constant 0 : i32
      %dma_start3A_151 = tpu.memref_slice %arg3[%dma_start3A_149, %dma_start3A_150] : memref<1000000x64xf32, #tpu.memory_space<hbm>> -> memref<1000000x64xf32, #tpu.memory_space<hbm>>
      tpu.enqueue_indirect_dma source(%dma_start3A_151 : memref<1000000x64xf32, #tpu.memory_space<hbm>>) target(%dma_start3A_147 : memref<128x64xf32, #tpu.memory_space<vmem>>) offsets(%dma_start3A_148 : memref<128xi32, #tpu.memory_space<vmem>>) semaphore(%arg9 : memref<!tpu.dma_semaphore, #tpu.memory_space<semaphore_mem>>)
      %mul3A_152 = arith.constant 4 : i32
      %mul3A_153 = arith.muli %add3A_138, %mul3A_152 : i32
      %add3A_154 = arith.constant 1 : i32
      %add3A_155 = arith.addi %mul3A_153, %add3A_154 : i32
      %mul3A_156 = arith.constant 128 : i32
      %mul3A_157 = arith.muli %add3A_155, %mul3A_156 : i32
      %dma_start3A_158 = arith.constant 128 : i32
      %dma_start3A_159 = arith.constant 0 : i32
      %dma_start3A_160 = tpu.memref_slice %arg7[%dma_start3A_158, %dma_start3A_159] : memref<512x64xf32, #tpu.memory_space<vmem>> -> memref<128x64xf32, #tpu.memory_space<vmem>>
      %dma_start3A_161 = tpu.memref_slice %arg6[%mul3A_157] : memref<25600xi32, #tpu.memory_space<vmem>> -> memref<128xi32, #tpu.memory_space<vmem>>
      %dma_start3A_162 = arith.constant 0 : i32
      %dma_start3A_163 = arith.constant 0 : i32
      %dma_start3A_164 = tpu.memref_slice %arg3[%dma_start3A_162, %dma_start3A_163] : memref<1000000x64xf32, #tpu.memory_space<hbm>> -> memref<1000000x64xf32, #tpu.memory_space<hbm>>
      tpu.enqueue_indirect_dma source(%dma_start3A_164 : memref<1000000x64xf32, #tpu.memory_space<hbm>>) target(%dma_start3A_160 : memref<128x64xf32, #tpu.memory_space<vmem>>) offsets(%dma_start3A_161 : memref<128xi32, #tpu.memory_space<vmem>>) semaphore(%arg9 : memref<!tpu.dma_semaphore, #tpu.memory_space<semaphore_mem>>)
      %mul3A_165 = arith.constant 4 : i32
      %mul3A_166 = arith.muli %add3A_138, %mul3A_165 : i32
      %add3A_167 = arith.constant 2 : i32
      %add3A_168 = arith.addi %mul3A_166, %add3A_167 : i32
      %mul3A_169 = arith.constant 128 : i32
      %mul3A_170 = arith.muli %add3A_168, %mul3A_169 : i32
      %dma_start3A_171 = arith.constant 256 : i32
      %dma_start3A_172 = arith.constant 0 : i32
      %dma_start3A_173 = tpu.memref_slice %arg7[%dma_start3A_171, %dma_start3A_172] : memref<512x64xf32, #tpu.memory_space<vmem>> -> memref<128x64xf32, #tpu.memory_space<vmem>>
      %dma_start3A_174 = tpu.memref_slice %arg6[%mul3A_170] : memref<25600xi32, #tpu.memory_space<vmem>> -> memref<128xi32, #tpu.memory_space<vmem>>
      %dma_start3A_175 = arith.constant 0 : i32
      %dma_start3A_176 = arith.constant 0 : i32
      %dma_start3A_177 = tpu.memref_slice %arg3[%dma_start3A_175, %dma_start3A_176] : memref<1000000x64xf32, #tpu.memory_space<hbm>> -> memref<1000000x64xf32, #tpu.memory_space<hbm>>
      tpu.enqueue_indirect_dma source(%dma_start3A_177 : memref<1000000x64xf32, #tpu.memory_space<hbm>>) target(%dma_start3A_173 : memref<128x64xf32, #tpu.memory_space<vmem>>) offsets(%dma_start3A_174 : memref<128xi32, #tpu.memory_space<vmem>>) semaphore(%arg9 : memref<!tpu.dma_semaphore, #tpu.memory_space<semaphore_mem>>)
      %mul3A_178 = arith.constant 4 : i32
      %mul3A_179 = arith.muli %add3A_138, %mul3A_178 : i32
      %add3A_180 = arith.constant 3 : i32
      %add3A_181 = arith.addi %mul3A_179, %add3A_180 : i32
      %mul3A_182 = arith.constant 128 : i32
      %mul3A_183 = arith.muli %add3A_181, %mul3A_182 : i32
      %dma_start3A_184 = arith.constant 384 : i32
      %dma_start3A_185 = arith.constant 0 : i32
      %dma_start3A_186 = tpu.memref_slice %arg7[%dma_start3A_184, %dma_start3A_185] : memref<512x64xf32, #tpu.memory_space<vmem>> -> memref<128x64xf32, #tpu.memory_space<vmem>>
      %dma_start3A_187 = tpu.memref_slice %arg6[%mul3A_183] : memref<25600xi32, #tpu.memory_space<vmem>> -> memref<128xi32, #tpu.memory_space<vmem>>
      %dma_start3A_188 = arith.constant 0 : i32
      %dma_start3A_189 = arith.constant 0 : i32
      %dma_start3A_190 = tpu.memref_slice %arg3[%dma_start3A_188, %dma_start3A_189] : memref<1000000x64xf32, #tpu.memory_space<hbm>> -> memref<1000000x64xf32, #tpu.memory_space<hbm>>
      tpu.enqueue_indirect_dma source(%dma_start3A_190 : memref<1000000x64xf32, #tpu.memory_space<hbm>>) target(%dma_start3A_186 : memref<128x64xf32, #tpu.memory_space<vmem>>) offsets(%dma_start3A_187 : memref<128xi32, #tpu.memory_space<vmem>>) semaphore(%arg9 : memref<!tpu.dma_semaphore, #tpu.memory_space<semaphore_mem>>)
      %mul3A_191 = arith.constant 512 : i32
      %mul3A_192 = arith.muli %add3A_124, %mul3A_191 : i32
      %add3A_193 = arith.addi %mul3A_4, %mul3A_192 : i32
      %dma_start3A_194 = arith.constant 0 : i32
      %dma_start3A_195 = tpu.memref_slice %arg4[%add3A_193, %dma_start3A_194] : memref<819200x128xf32, #tpu.memory_space<hbm>> -> memref<512x64xf32, #tpu.memory_space<hbm>>
      %dma_start3A_196 = arith.constant 0 : i32
      %dma_start3A_197 = tpu.memref_slice %arg4[%add3A_193, %dma_start3A_196] : memref<819200x128xf32, #tpu.memory_space<hbm>> -> memref<512x64xf32, #tpu.memory_space<hbm>>
      tpu.enqueue_dma source(%arg8 : memref<512x64xf32, #tpu.memory_space<vmem>>) target(%dma_start3A_197 : memref<512x64xf32, #tpu.memory_space<hbm>>) target_semaphore(%arg12 : memref<!tpu.dma_semaphore, #tpu.memory_space<semaphore_mem>>)
      %mul3A_198 = arith.constant 2 : i32
      %mul3A_199 = arith.muli %mul3A_198, %scan3A_120 : i32
      %add3A_200 = arith.constant 2 : i32
      %add3A_201 = arith.addi %mul3A_199, %add3A_200 : i32
      %dma_wait3A_202 = arith.constant 0 : i32
      %dma_wait3A_203 = arith.constant 0 : i32
      %dma_wait3A_204 = tpu.memref_slice %arg3[%dma_wait3A_202, %dma_wait3A_203] : memref<1000000x64xf32, #tpu.memory_space<hbm>> -> memref<512x64xf32, #tpu.memory_space<hbm>>
      %dma_wait3A_205 = arith.constant 0 : i32
      %dma_wait3A_206 = arith.constant 0 : i32
      %dma_wait3A_207 = tpu.memref_slice %arg3[%dma_wait3A_205, %dma_wait3A_206] : memref<1000000x64xf32, #tpu.memory_space<hbm>> -> memref<512x64xf32, #tpu.memory_space<hbm>>
      tpu.wait_dma2 semaphore(%arg9 : memref<!tpu.dma_semaphore, #tpu.memory_space<semaphore_mem>>) src(%dma_wait3A_207 : memref<512x64xf32, #tpu.memory_space<hbm>>) dst(%arg7 : memref<512x64xf32, #tpu.memory_space<vmem>>)
      %dma_wait3A_208 = arith.constant 0 : i32
      %dma_wait3A_209 = arith.constant 0 : i32
      %dma_wait3A_210 = tpu.memref_slice %arg4[%dma_wait3A_208, %dma_wait3A_209] : memref<819200x128xf32, #tpu.memory_space<hbm>> -> memref<512x64xf32, #tpu.memory_space<hbm>>
      %dma_wait3A_211 = arith.constant 0 : i32
      %dma_wait3A_212 = arith.constant 0 : i32
      %dma_wait3A_213 = tpu.memref_slice %arg4[%dma_wait3A_211, %dma_wait3A_212] : memref<819200x128xf32, #tpu.memory_space<hbm>> -> memref<512x64xf32, #tpu.memory_space<hbm>>
      tpu.wait_dma2 semaphore(%arg12 : memref<!tpu.dma_semaphore, #tpu.memory_space<semaphore_mem>>) src(%arg8 : memref<512x64xf32, #tpu.memory_space<vmem>>) dst(%dma_wait3A_213 : memref<512x64xf32, #tpu.memory_space<hbm>>)
      %add3A_214 = arith.constant 1 : i32
      %add3A_215 = arith.addi %add3A_201, %add3A_214 : i32
      %mul3A_216 = arith.constant 4 : i32
      %mul3A_217 = arith.muli %add3A_215, %mul3A_216 : i32
      %add3A_218 = arith.constant 0 : i32
      %add3A_219 = arith.addi %mul3A_217, %add3A_218 : i32
      %mul3A_220 = arith.constant 128 : i32
      %mul3A_221 = arith.muli %add3A_219, %mul3A_220 : i32
      %dma_start3A_222 = arith.constant 0 : i32
      %dma_start3A_223 = arith.constant 0 : i32
      %dma_start3A_224 = tpu.memref_slice %arg8[%dma_start3A_222, %dma_start3A_223] : memref<512x64xf32, #tpu.memory_space<vmem>> -> memref<128x64xf32, #tpu.memory_space<vmem>>
      %dma_start3A_225 = tpu.memref_slice %arg6[%mul3A_221] : memref<25600xi32, #tpu.memory_space<vmem>> -> memref<128xi32, #tpu.memory_space<vmem>>
      %dma_start3A_226 = arith.constant 0 : i32
      %dma_start3A_227 = arith.constant 0 : i32
      %dma_start3A_228 = tpu.memref_slice %arg3[%dma_start3A_226, %dma_start3A_227] : memref<1000000x64xf32, #tpu.memory_space<hbm>> -> memref<1000000x64xf32, #tpu.memory_space<hbm>>
      tpu.enqueue_indirect_dma source(%dma_start3A_228 : memref<1000000x64xf32, #tpu.memory_space<hbm>>) target(%dma_start3A_224 : memref<128x64xf32, #tpu.memory_space<vmem>>) offsets(%dma_start3A_225 : memref<128xi32, #tpu.memory_space<vmem>>) semaphore(%arg10 : memref<!tpu.dma_semaphore, #tpu.memory_space<semaphore_mem>>)
      %mul3A_229 = arith.constant 4 : i32
      %mul3A_230 = arith.muli %add3A_215, %mul3A_229 : i32
      %add3A_231 = arith.constant 1 : i32
      %add3A_232 = arith.addi %mul3A_230, %add3A_231 : i32
      %mul3A_233 = arith.constant 128 : i32
      %mul3A_234 = arith.muli %add3A_232, %mul3A_233 : i32
      %dma_start3A_235 = arith.constant 128 : i32
      %dma_start3A_236 = arith.constant 0 : i32
      %dma_start3A_237 = tpu.memref_slice %arg8[%dma_start3A_235, %dma_start3A_236] : memref<512x64xf32, #tpu.memory_space<vmem>> -> memref<128x64xf32, #tpu.memory_space<vmem>>
      %dma_start3A_238 = tpu.memref_slice %arg6[%mul3A_234] : memref<25600xi32, #tpu.memory_space<vmem>> -> memref<128xi32, #tpu.memory_space<vmem>>
      %dma_start3A_239 = arith.constant 0 : i32
      %dma_start3A_240 = arith.constant 0 : i32
      %dma_start3A_241 = tpu.memref_slice %arg3[%dma_start3A_239, %dma_start3A_240] : memref<1000000x64xf32, #tpu.memory_space<hbm>> -> memref<1000000x64xf32, #tpu.memory_space<hbm>>
      tpu.enqueue_indirect_dma source(%dma_start3A_241 : memref<1000000x64xf32, #tpu.memory_space<hbm>>) target(%dma_start3A_237 : memref<128x64xf32, #tpu.memory_space<vmem>>) offsets(%dma_start3A_238 : memref<128xi32, #tpu.memory_space<vmem>>) semaphore(%arg10 : memref<!tpu.dma_semaphore, #tpu.memory_space<semaphore_mem>>)
      %mul3A_242 = arith.constant 4 : i32
      %mul3A_243 = arith.muli %add3A_215, %mul3A_242 : i32
      %add3A_244 = arith.constant 2 : i32
      %add3A_245 = arith.addi %mul3A_243, %add3A_244 : i32
      %mul3A_246 = arith.constant 128 : i32
      %mul3A_247 = arith.muli %add3A_245, %mul3A_246 : i32
      %dma_start3A_248 = arith.constant 256 : i32
      %dma_start3A_249 = arith.constant 0 : i32
      %dma_start3A_250 = tpu.memref_slice %arg8[%dma_start3A_248, %dma_start3A_249] : memref<512x64xf32, #tpu.memory_space<vmem>> -> memref<128x64xf32, #tpu.memory_space<vmem>>
      %dma_start3A_251 = tpu.memref_slice %arg6[%mul3A_247] : memref<25600xi32, #tpu.memory_space<vmem>> -> memref<128xi32, #tpu.memory_space<vmem>>
      %dma_start3A_252 = arith.constant 0 : i32
      %dma_start3A_253 = arith.constant 0 : i32
      %dma_start3A_254 = tpu.memref_slice %arg3[%dma_start3A_252, %dma_start3A_253] : memref<1000000x64xf32, #tpu.memory_space<hbm>> -> memref<1000000x64xf32, #tpu.memory_space<hbm>>
      tpu.enqueue_indirect_dma source(%dma_start3A_254 : memref<1000000x64xf32, #tpu.memory_space<hbm>>) target(%dma_start3A_250 : memref<128x64xf32, #tpu.memory_space<vmem>>) offsets(%dma_start3A_251 : memref<128xi32, #tpu.memory_space<vmem>>) semaphore(%arg10 : memref<!tpu.dma_semaphore, #tpu.memory_space<semaphore_mem>>)
      %mul3A_255 = arith.constant 4 : i32
      %mul3A_256 = arith.muli %add3A_215, %mul3A_255 : i32
      %add3A_257 = arith.constant 3 : i32
      %add3A_258 = arith.addi %mul3A_256, %add3A_257 : i32
      %mul3A_259 = arith.constant 128 : i32
      %mul3A_260 = arith.muli %add3A_258, %mul3A_259 : i32
      %dma_start3A_261 = arith.constant 384 : i32
      %dma_start3A_262 = arith.constant 0 : i32
      %dma_start3A_263 = tpu.memref_slice %arg8[%dma_start3A_261, %dma_start3A_262] : memref<512x64xf32, #tpu.memory_space<vmem>> -> memref<128x64xf32, #tpu.memory_space<vmem>>
      %dma_start3A_264 = tpu.memref_slice %arg6[%mul3A_260] : memref<25600xi32, #tpu.memory_space<vmem>> -> memref<128xi32, #tpu.memory_space<vmem>>
      %dma_start3A_265 = arith.constant 0 : i32
      %dma_start3A_266 = arith.constant 0 : i32
      %dma_start3A_267 = tpu.memref_slice %arg3[%dma_start3A_265, %dma_start3A_266] : memref<1000000x64xf32, #tpu.memory_space<hbm>> -> memref<1000000x64xf32, #tpu.memory_space<hbm>>
      tpu.enqueue_indirect_dma source(%dma_start3A_267 : memref<1000000x64xf32, #tpu.memory_space<hbm>>) target(%dma_start3A_263 : memref<128x64xf32, #tpu.memory_space<vmem>>) offsets(%dma_start3A_264 : memref<128xi32, #tpu.memory_space<vmem>>) semaphore(%arg10 : memref<!tpu.dma_semaphore, #tpu.memory_space<semaphore_mem>>)
      %mul3A_268 = arith.constant 512 : i32
      %mul3A_269 = arith.muli %add3A_201, %mul3A_268 : i32
      %add3A_270 = arith.addi %mul3A_4, %mul3A_269 : i32
      %dma_start3A_271 = arith.constant 0 : i32
      %dma_start3A_272 = tpu.memref_slice %arg4[%add3A_270, %dma_start3A_271] : memref<819200x128xf32, #tpu.memory_space<hbm>> -> memref<512x64xf32, #tpu.memory_space<hbm>>
      %dma_start3A_273 = arith.constant 0 : i32
      %dma_start3A_274 = tpu.memref_slice %arg4[%add3A_270, %dma_start3A_273] : memref<819200x128xf32, #tpu.memory_space<hbm>> -> memref<512x64xf32, #tpu.memory_space<hbm>>
      tpu.enqueue_dma source(%arg7 : memref<512x64xf32, #tpu.memory_space<vmem>>) target(%dma_start3A_274 : memref<512x64xf32, #tpu.memory_space<hbm>>) target_semaphore(%arg11 : memref<!tpu.dma_semaphore, #tpu.memory_space<semaphore_mem>>)
    }
    %scan3A_95 = arith.constant 24 : i32
    %dma_wait3A_96 = arith.constant 0 : i32
    %dma_wait3A_97 = arith.constant 0 : i32
    %dma_wait3A_98 = tpu.memref_slice %arg3[%dma_wait3A_96, %dma_wait3A_97] : memref<1000000x64xf32, #tpu.memory_space<hbm>> -> memref<512x64xf32, #tpu.memory_space<hbm>>
    %dma_wait3A_99 = arith.constant 0 : i32
    %dma_wait3A_100 = arith.constant 0 : i32
    %dma_wait3A_101 = tpu.memref_slice %arg3[%dma_wait3A_99, %dma_wait3A_100] : memref<1000000x64xf32, #tpu.memory_space<hbm>> -> memref<512x64xf32, #tpu.memory_space<hbm>>
    tpu.wait_dma2 semaphore(%arg10 : memref<!tpu.dma_semaphore, #tpu.memory_space<semaphore_mem>>) src(%dma_wait3A_101 : memref<512x64xf32, #tpu.memory_space<hbm>>) dst(%arg8 : memref<512x64xf32, #tpu.memory_space<vmem>>)
    %dma_wait3A_102 = arith.constant 0 : i32
    %dma_wait3A_103 = arith.constant 0 : i32
    %dma_wait3A_104 = tpu.memref_slice %arg4[%dma_wait3A_102, %dma_wait3A_103] : memref<819200x128xf32, #tpu.memory_space<hbm>> -> memref<512x64xf32, #tpu.memory_space<hbm>>
    %dma_wait3A_105 = arith.constant 0 : i32
    %dma_wait3A_106 = arith.constant 0 : i32
    %dma_wait3A_107 = tpu.memref_slice %arg4[%dma_wait3A_105, %dma_wait3A_106] : memref<819200x128xf32, #tpu.memory_space<hbm>> -> memref<512x64xf32, #tpu.memory_space<hbm>>
    tpu.wait_dma2 semaphore(%arg11 : memref<!tpu.dma_semaphore, #tpu.memory_space<semaphore_mem>>) src(%arg7 : memref<512x64xf32, #tpu.memory_space<vmem>>) dst(%dma_wait3A_107 : memref<512x64xf32, #tpu.memory_space<hbm>>)
    %add3A_108 = arith.constant 25088 : i32
    %add3A_109 = arith.addi %mul3A_4, %add3A_108 : i32
    %dma_start3A_110 = arith.constant 0 : i32
    %dma_start3A_111 = tpu.memref_slice %arg4[%add3A_109, %dma_start3A_110] : memref<819200x128xf32, #tpu.memory_space<hbm>> -> memref<512x64xf32, #tpu.memory_space<hbm>>
    %dma_start3A_112 = arith.constant 0 : i32
    %dma_start3A_113 = tpu.memref_slice %arg4[%add3A_109, %dma_start3A_112] : memref<819200x128xf32, #tpu.memory_space<hbm>> -> memref<512x64xf32, #tpu.memory_space<hbm>>
    tpu.enqueue_dma source(%arg8 : memref<512x64xf32, #tpu.memory_space<vmem>>) target(%dma_start3A_113 : memref<512x64xf32, #tpu.memory_space<hbm>>) target_semaphore(%arg12 : memref<!tpu.dma_semaphore, #tpu.memory_space<semaphore_mem>>)
    %dma_wait3A_114 = arith.constant 0 : i32
    %dma_wait3A_115 = arith.constant 0 : i32
    %dma_wait3A_116 = tpu.memref_slice %arg4[%dma_wait3A_114, %dma_wait3A_115] : memref<819200x128xf32, #tpu.memory_space<hbm>> -> memref<512x64xf32, #tpu.memory_space<hbm>>
    %dma_wait3A_117 = arith.constant 0 : i32
    %dma_wait3A_118 = arith.constant 0 : i32
    %dma_wait3A_119 = tpu.memref_slice %arg4[%dma_wait3A_117, %dma_wait3A_118] : memref<819200x128xf32, #tpu.memory_space<hbm>> -> memref<512x64xf32, #tpu.memory_space<hbm>>
    tpu.wait_dma2 semaphore(%arg12 : memref<!tpu.dma_semaphore, #tpu.memory_space<semaphore_mem>>) src(%arg8 : memref<512x64xf32, #tpu.memory_space<vmem>>) dst(%dma_wait3A_119 : memref<512x64xf32, #tpu.memory_space<hbm>>)
    return
  }
}

</mosaic_0001>

<sc_bundles>
// kernel: _gather_rows.3.cloned.1.call-start
scs
__scs_entry_jumppad:
0x0: {  	(pc) =	sbr.rel $0x88, $3  }
0x1: {  	(tag) =	ssettag $0x0;
	lr =	simm.s32 $0x1  }
0x2: {  	[smem:$0x3F9F] =	sst lr;
	_ =	strace $0xD0000000  }
0x3: {  	_ = 	snop  }
0x4: {  	_ = 	snop  }
0x5: {  	_ = 	snop  }
0x6: {  	_ = 	snop  }
0x7: {  	_ = 	snop  }
__scs_overlays_trampoline_lowered:
0x8: {  	[smem:$0x3FAE] =	sst s0  }
0x9: {  	[smem:$0x3FAF] =	sst s1  }
0xa: {  	[smem:$0x3FB0] =	sst s2  }
0xb: {  	[smem:$0x3FB1] =	sst s3  }
0xc: {  	[smem:$0x3FB2] =	sst s4  }
0xd: {  	[smem:$0x3FB3] =	sst s5  }
0xe: {  	[smem:$0x3FB4] =	sst s6  }
0xf: {  	[smem:$0x3FB5] =	sst s7  }
0x10: {  	[smem:$0x3FB6] =	sst s8  }
0x11: {  	[smem:$0x3FB7] =	sst s9;
	s0 =	simm.s32 @!p0 $0x0  }
0x12: {  	s1 =	sld [smem:$0x3F9D];
	s0 =	simm.s32 @p0 $0x1  }
0x13: {  	[smem:$0x3FB8] =	sst s0;
	s0 =	simm.s32 @!p1 $0x0  }
0x14: {  	s2 =	sld [smem:$0x3F9C];
	s0 =	simm.s32 @p1 $0x1  }
0x15: {  	[smem:$0x3FB9] =	sst s0;
	s0 =	simm.s32 @!p2 $0x0  }
0x16: {  	s3 =	sld [smem:$0x3FDB];
	s0 =	simm.s32 @p2 $0x1  }
0x17: {  	s4 =	simm.s32 $0x1BF5;
	[smem:$0x3FBB] =	sst s0  }
0x18: {  	s0 =	sld [smem:$0x3F9E];
	_ =	swait.ge [sflag:s4], $0x0  }
0x19: {  	s7 =	sld [smem:$0x3F9F]  }
0x1a: {  	s8 =	sadd.s32 $0xFFFFE003, lr  }
0x1b: {  	s9 =	sadd.s32 $0xFFFFFEF7, lr;
	s5 =	simm.s32 $0xFFFFFFFF;
	p2 =	slt.u32 s8, $0xFFFFF086  }
0x1c: {  	p1 =	slt.u32 s9, $0xF7A;
	s5 =	simm.s32 @!p2 $0x0  }
0x1d: {  	s5 =	simm.s32 @p1 $0x1;
	p0 =	seq.s32 s7, s2  }
0x1e: {  	s7 =	smul.u32 @!p0 $0xF7A, s2;
	p2 =	seq.s32 @!p0 s5, $0x0  }
0x1f: {  	s9 =	smul.u32 $0xF7A, s1;
	s8 =	simm.s32 @!p0 $0x1BF5;
	p2 =	por !p2, p0  }
0x20: {  	[sflag:s8] =	ssyncset.s32 @!p0 $0xFFFFF086;
	s6 =	sadd.s32 @!p0 s3, s7;
	s7 =	simm.s32 @!p0 $0x108  }
0x21: {  	s3 =	sadd.s32 s3, s9;
	s6 =	sadd.s32 @!p0 $0x88, s6;
	s7 =	simm.s32 @p2 $0x1082  }
0x22: {  	[simem:s7], [sflag:s8] =	dma.local @!p0 [hbm:s6], $0xF7A  }
0x23: {  	s9 =	sor.u32 $0xD0000000, s2;
	s6 =	simm.s32 $0x108;
	_ =	swait.ge @!p0 [sflag:s8], $0x0  }
0x24: {  	s3 =	sadd.s32 $0x88, s3;
	s6 =	simm.s32 @!p1 $0x1082;
	[sflag:s4] =	ssyncset.s32 $0xFFFFF086  }
0x25: {  	[simem:s6], [sflag:s4] =	dma.local [hbm:s3], $0xF7A  }
0x26: {  	[smem:$0x3F9F] =	sst s1;
	(tag) =	ssettag s2;
	_ =	strace s9  }
0x27: {  	s1 =	sld [smem:$0x3FAF]  }
0x28: {  	s2 =	sld [smem:$0x3FB0]  }
0x29: {  	s4 =	sld [smem:$0x3FB2]  }
0x2a: {  	p0 =	seq.s32 s5, $0x0;
	s5 =	sld [smem:$0x3FB3]  }
0x2b: {  	s6 =	sld [smem:$0x3FB4]  }
0x2c: {  	s7 =	sld [smem:$0x3FB5]  }
0x2d: {  	s3 =	simm.s32 $0x108;
	s8 =	sld [smem:$0x3FB6]  }
0x2e: {  	s3 =	simm.s32 @!p0 $0x1082;
	s9 =	sld [smem:$0x3FB7]  }
0x2f: {  	lr =	sadd.s32 s0, s3;
	s0 =	sld [smem:$0x3FAE]  }
0x30: {  	s3 =	sld [smem:$0x3FB1]  }
0x31: {  	[smem:$0x3FBA] =	sst s10  }
0x32: {  	s10 =	sld [smem:$0x3FB8];
	_ =	sdelay $0x3  }
0x33: {  	p0 =	seq.s32 s10, $0x1;
	s10 =	sld [smem:$0x3FBA];
	_ =	sdelay $0x3  }
0x34: {  	[smem:$0x3FBA] =	sst s10  }
0x35: {  	s10 =	sld [smem:$0x3FB9];
	_ =	sdelay $0x3  }
0x36: {  	p1 =	seq.s32 s10, $0x1;
	s10 =	sld [smem:$0x3FBA];
	_ =	sdelay $0x3  }
0x37: {  	[smem:$0x3FBA] =	sst s10  }
0x38: {  	s10 =	sld [smem:$0x3FBB]  }
0x39: {  	_ = 	snop;
	(pc) =	sbr.ind lr, $3  }
0x3a: {  	_ = 	snop  }
0x3b: {  	_ = 	snop  }
0x3c: {  	p2 =	seq.s32 s10, $0x1;
	s10 =	sld [smem:$0x3FBA]  }
0x3d: {  	_ =	shalt  }
0x3e: {  	_ =	shalt  }
0x3f: {  	_ =	shalt  }
0x40: {  	_ =	shalt  }
0x41: {  	_ =	shalt  }
0x42: {  	_ =	shalt  }
0x43: {  	_ =	shalt  }
0x44: {  	_ =	shalt  }
0x45: {  	_ =	shalt  }
0x46: {  	_ =	shalt  }
0x47: {  	_ =	shalt  }
0x48: {  	_ =	shalt  }
0x49: {  	_ =	shalt  }
0x4a: {  	_ =	shalt  }
0x4b: {  	_ =	shalt  }
0x4c: {  	_ =	shalt  }
0x4d: {  	_ =	shalt  }
0x4e: {  	_ =	shalt  }
0x4f: {  	_ =	shalt  }
0x50: {  	_ =	shalt  }
0x51: {  	_ =	shalt  }
0x52: {  	_ =	shalt  }
0x53: {  	_ =	shalt  }
0x54: {  	_ =	shalt  }
0x55: {  	_ =	shalt  }
0x56: {  	_ =	shalt  }
0x57: {  	_ =	shalt  }
0x58: {  	_ =	shalt  }
0x59: {  	_ =	shalt  }
0x5a: {  	_ =	shalt  }
0x5b: {  	_ =	shalt  }
0x5c: {  	_ =	shalt  }
0x5d: {  	_ =	shalt  }
0x5e: {  	_ =	shalt  }
0x5f: {  	_ =	shalt  }
0x60: {  	_ =	shalt  }
0x61: {  	_ =	shalt  }
0x62: {  	_ =	shalt  }
0x63: {  	_ =	shalt  }
0x64: {  	_ =	shalt  }
0x65: {  	_ =	shalt  }
0x66: {  	_ =	shalt  }
0x67: {  	_ =	shalt  }
0x68: {  	_ =	shalt  }
0x69: {  	_ =	shalt  }
0x6a: {  	_ =	shalt  }
0x6b: {  	_ =	shalt  }
0x6c: {  	_ =	shalt  }
0x6d: {  	_ =	shalt  }
0x6e: {  	_ =	shalt  }
0x6f: {  	_ =	shalt  }
0x70: {  	_ =	shalt  }
0x71: {  	_ =	shalt  }
0x72: {  	_ =	shalt  }
0x73: {  	_ =	shalt  }
0x74: {  	_ =	shalt  }
0x75: {  	_ =	shalt  }
0x76: {  	_ =	shalt  }
0x77: {  	_ =	shalt  }
0x78: {  	_ =	shalt  }
0x79: {  	_ =	shalt  }
0x7a: {  	_ =	shalt  }
0x7b: {  	_ =	shalt  }
0x7c: {  	_ =	shalt  }
0x7d: {  	_ =	shalt  }
0x7e: {  	_ =	shalt  }
0x7f: {  	_ =	shalt  }
0x80: {  	_ =	shalt  }
0x81: {  	_ =	shalt  }
0x82: {  	_ =	shalt  }
0x83: {  	_ =	shalt  }
0x84: {  	_ =	shalt  }
0x85: {  	_ =	shalt  }
0x86: {  	_ =	shalt  }
0x87: {  	_ =	shalt  }
.Lfunc_end0:
.L_simem_size_0:
called_computation_lowered:
.L_overlay_start_0:
0x88: {  	s2 =	sld [smem:$0x3FD9]  }
0x89: {  	s3 =	sld [smem:$0x3FFE];
	_ =	sdelay $0x1  }
0x8a: {  	s1 =	srdreg.scid  }
0x8b: {  	s0 =	sand.u32 $0x1, s1  }
0x8c: {  	s17 =	sshll.u32 s0, $0xA;
	s2 =	sadd.s32 s3, s2  }
0x8d: {  	s2 =	sadd.s32 s2, s17  }
0x8e: {  	[smem:$0x3FC6] =	sst s2  }
0x8f: {  	_ = 	snop  }
0x90: {  	s2 =	sld [smem:$0x3FC9]  }
0x91: {  	s18 =	sld [smem:$0x3FD0];
	(tm) =	ssettm $0x1  }
0x92: {  	s4 =	sld [smem:$0x3FFB];
	_ =	sdelay $0x3  }
0x93: {  	_ =	strace s4  }
0x94: {  	s4 =	sld [smem:$0x3FFC];
	_ =	sdelay $0x3  }
0x95: {  	_ =	strace s4  }
0x96: {  	s4 =	sld [smem:$0x3FFD];
	_ =	sdelay $0x3  }
0x97: {  	_ =	strace s4  }
0x98: {  	_ =	strace $0x8FFFFFFF  }
0x99: {  	s19 =	sld [smem:$0x3FDB];
	_ =	sdelay $0x1  }
0x9a: {  	s5 =	simm.s32 $_scs_section_size  }
0x9b: {  	s6 =	simm.s32 $_size__tile_overlayer_lowered;
	s7 =	simm.s32 $_tile_overlayer_lowered  }
0x9c: {  	s22 =	simm.s32 $0x1BFF;
	s21 =	sshll.u32 s7, $0x1;
	s4 =	sadd.s32 s5, s19  }
0x9d: {  	s8 =	simm.s32 $0x0;
	s20 =	sshll.u32 s6, $0x1;
	s6 =	sadd.s32 s21, s4  }
0x9e: {  	[timem:s8], [sflag:s22] =	dma.local [hbm:s6], s20  }
0x9f: {  	_ =	swait.ge [sflag:s22], s20  }
0xa0: {  	s5 =	ssub.s32 $0x0, s20;
	[sflag:s22] =	ssyncset.done $0x0  }
0xa1: {  	[sflag:s22] =	ssyncadd.s32 s5;
	_ =	sdelay $0x1  }
0xa2: {  	s23 =	simm.s32 $0x1B8B  }
0xa3: {  	_ =	swait.ge [sflag:s23], $0x1  }
0xa4: {  	[sflag:s23] =	ssyncset.done $0x0  }
0xa5: {  	s25 =	simm.s32 $0x1B8E;
	s24 =	sld [smem:$0x3FFE];
	[sflag:s23] =	ssyncadd.s32 $0xFFFFFFFF  }
0xa6: {  	s26 =	simm.s32 $execute0_lowered;
	[smem:$0x3FD2] =	sst s25  }
0xa7: {  	s6 =	sshll.u32 s26, $0x1;
	_ =	strace $0x80000046;
	[dreg:$0x1] =	wrdreg $0xFFFFFFFF  }
0xa8: {  	s28 =	simm.s32 $_size_execute0_lowered;
	s4 =	sadd.s32 s4, s6;
	[dreg:$0x0] =	wrdreg $0x0  }
0xa9: {  	s6 =	sshll.u32 s28, $0x1;
	[dreg:$0x2] =	wrdreg s4  }
0xaa: {  	[dreg:$0x3] =	wrdreg s6  }
0xab: {  	[dreg:$0x4] =	wrdreg $0xC0  }
0xac: {  	_ =	task [dreg:s8], $0x5FFFF  }
0xad: {  	[dreg:$0x1] =	wrdreg $0xFFFFFFFF  }
0xae: {  	[dreg:$0x0] =	wrdreg $0x60  }
0xaf: {  	[dreg:$0x2] =	wrdreg s2  }
0xb0: {  	[dreg:$0x3] =	wrdreg s24  }
0xb1: {  	[dreg:$0x4] =	wrdreg s18  }
0xb2: {  	[dreg:$0x5] =	wrdreg $0x9  }
0xb3: {  	_ =	task.clear_ibuf [dreg:s8], $0x6FFFF;
	_ =	strace $0x90000046  }
0xb4: {  	s29 =	simm.s32 $0x9;
	_ =	strace $0x80000048  }
0xb5: {  	_ =	swait.ge [sflag:s29], $0x1  }
0xb6: {  	[sflag:s29] =	ssyncadd.s32 $0xFFFFFFFF  }
0xb7: {  	_ =	strace $0x90000048  }
0xb8: {  	_ =	sfence  }
0xb9: {  	s30 =	sld [smem:$0x0];
	_ =	sdelay $0x2  }
0xba: {  	s31 =	sshll.u32 s1, $0xD;
	s1 =	sshrl.u32 s1, $0x2  }
0xbb: {  	s3 =	sand.u32 $0x4000, s31;
	s1 =	sadd.s32 s1, s30  }
0xbc: {  	s0 =	sor.u32 s3, s0;
	s1 =	sshll.u32 s1, $0x11  }
0xbd: {  	s0 =	sor.u32 s1, s0  }
0xbe: {  	s0 =	sadd.s32 $0x8F2B, s0  }
0xbf: {  	[sflag:s0] =	ssyncadd.remote.s32 $0x1  }
0xc0: {  	_ =	sfence.sel $0xFFFF  }
0xc1: {  	[dreg:$0x0] =	wrdreg $0xFFFFFFFF;
	(pc) =	sbr.abs _section_cstart, $3  }
0xc2: {  	[dreg:$0x1] =	wrdreg $0xFFFFFFFF  }
0xc3: {  	_ =	task.clear_ibuf [dreg:s8], $0x2FFFF;
	_ =	strace $0x9FFFFFFF  }
0xc4: {  	(tm) =	ssettm $0x7FFFFFFF  }
0xc5: {  	_ =	shalt  }
tec
execute0_lowered:
.L_overlay_start_1:
0x0: {  	(tag) =	ssettag $0x1  }
0x1: {  	s0 =	rddreg [dreg:$0x0]  }
0x2: {  	s1 =	srdreg.scid;
	s2 =	rddreg [dreg:$0x1]  }
0x3: {  	s10 =	stileid.u32;
	s7 =	rddreg [dreg:$0x2];
	s5 =	simm.s32 $0x0  }
0x4: {  	s11 =	simm.s32 $0x80;
	s13 =	simm.s32 $0xC800;
	s15 =	simm.s32 $0xE800  }
0x5: {  	s17 =	simm.s32 $0x10800;
	s19 =	simm.s32 $0x12800;
	s21 =	simm.s32 $0x14800  }
0x6: {  	s28 =	simm.s32 $0x1A800;
	s29 =	simm.s32 $0x1;
	s9 =	smul.u32 $0xC800, s10  }
0x7: {  	s30 =	simm.s32 $0x40;
	s1 =	sand.u32 $0x1, s1;
	s25 =	smul.u32 $0xC8000, s10  }
0x8: {  	s31 =	simm.s32 $0x2;
	s3 =	sshll.u32 s10, $0x1;
	s24 =	smul.u32 $0x6400, s1  }
0x9: {  	s3 =	sor.u32 s1, s3;
	s6 =	ssub.s32 $0x2, s1;
	s1 =	smul.u32 $0x64000, s1  }
0xa: {  	[smem:$0x7FF] =	sst s5;
	s10 =	simm.s32 $0x5;
	s4 =	smul.u32 $0x6400, s3  }
0xb: {  	_ =	strace $0x80000047;
	s22 =	smul.u32 $0x64000, s3;
	s23 =	sshrl.u32 s6, $0x1  }
0xc: {  	s8 =	smul.u32 $0x320000, s3;
	s3 =	sadd.s32 $0xF42800, s2;
	s2 =	ssub.s32 s6, s23  }
0xd: {  	s6 =	sadd.s32 s24, s9;
	s23 =	simm.s32 $0x16800;
	s24 =	simm.s32 $0x6700  }
0xe: {  	s4 =	sshrl.u32 s4, $0x3;
	s5 =	sadd.s32 s7, s22;
	s8 =	sshrl.u32 s8, $0x3  }
0xf: {  	s9 =	sshll.u32 s6, $0x4;
	s4 =	sadd.s32 s0, s4;
	s8 =	sadd.s32 s7, s8  }
0x10: {  	s0 =	sadd.s32 s25, s7;
	s26 =	sadd.s32 s7, s9;
	s7 =	smax.u32 s2, $0x1  }
0x11: {  	s25 =	simm.s32 $0x18800;
	s2 =	simm.s32 $0x0;
	s6 =	sadd.s32 $0x62000, s8  }
0x12: {  	s0 =	sadd.s32 s1, s0;
	s18 =	sadd.s32 $0x4000, s26;
	s26 =	simm.s32 $0x6780  }
0x13: {  	s1 =	simm.s32 $0x3;
	s8 =	sadd.s32 $0x2000, s0;
	s0 =	simm.s32 $0x4  }
.LBB2_1:
0x14: {  	s9 =	simm.s32 $0x0  }
0x15: {  	[tilespmem:s9], [sflag:$0x5] =	stream.linear.gather [hbm4b:s4+s9], $0x6400, $0x38;
	[tilespmem:$0x1C800] =	vst v63  }
0x16: {  	_ =	swait.ge [sflag:s10], $0x6400  }
0x17: {  	[sflag:s10] =	ssyncset.done $0x0  }
0x18: {  	[sflag:s10] =	ssyncadd.s32 $0xFFFF9C00  }
0x19: {  	v0 =	vld [tilespmem:$0x0]  }
0x1a: {  	v1 =	vld [tilespmem:$0x10]  }
0x1b: {  	v2 =	vld [tilespmem:$0x20]  }
0x1c: {  	v3 =	vld [tilespmem:$0x30]  }
0x1d: {  	v4 =	vld [tilespmem:$0x40]  }
0x1e: {  	v5 =	vld [tilespmem:$0x50];
	v0 =	vtrunc.f32 v0  }
0x1f: {  	v6 =	vld [tilespmem:$0x60];
	v1 =	vtrunc.f32 v1;
	v0 =	vcvt.f32.s32 v0  }
0x20: {  	v7 =	vld [tilespmem:$0x70];
	v2 =	vtrunc.f32 v2;
	v1 =	vcvt.f32.s32 v1  }
0x21: {  	[tilespmem:$0x6400] =	vst v0;
	v0 =	vcvt.f32.s32 v2;
	v2 =	vtrunc.f32 v3;
	v3 =	vld [tilespmem:$0x80]  }
0x22: {  	[tilespmem:$0x6410] =	vst v1;
	v1 =	vcvt.f32.s32 v2;
	v2 =	vtrunc.f32 v4;
	v4 =	vld [tilespmem:$0x90]  }
0x23: {  	[tilespmem:$0x6420] =	vst v0;
	v0 =	vcvt.f32.s32 v2;
	v2 =	vtrunc.f32 v5;
	v5 =	vld [tilespmem:$0xA0]  }
0x24: {  	[tilespmem:$0x6430] =	vst v1;
	v1 =	vcvt.f32.s32 v2;
	v2 =	vtrunc.f32 v6;
	v6 =	vld [tilespmem:$0xB0]  }
0x25: {  	[tilespmem:$0x6440] =	vst v0;
	v0 =	vcvt.f32.s32 v2;
	v2 =	vtrunc.f32 v7;
	v7 =	vld [tilespmem:$0xC0]  }
0x26: {  	[tilespmem:$0x6450] =	vst v1;
	v1 =	vcvt.f32.s32 v2;
	v2 =	vtrunc.f32 v3;
	v3 =	vld [tilespmem:$0xD0]  }
0x27: {  	[tilespmem:$0x6460] =	vst v0;
	v0 =	vcvt.f32.s32 v2;
	v2 =	vtrunc.f32 v4;
	v4 =	vld [tilespmem:$0xE0]  }
0x28: {  	[tilespmem:$0x6470] =	vst v1;
	v1 =	vcvt.f32.s32 v2;
	v2 =	vtrunc.f32 v5;
	v5 =	vld [tilespmem:$0xF0]  }
0x29: {  	[tilespmem:$0x6480] =	vst v0;
	v0 =	vcvt.f32.s32 v2;
	v2 =	vtrunc.f32 v6;
	v6 =	vld [tilespmem:$0x100]  }
0x2a: {  	[tilespmem:$0x6490] =	vst v1;
	v1 =	vcvt.f32.s32 v2;
	v2 =	vtrunc.f32 v7;
	v7 =	vld [tilespmem:$0x110]  }
0x2b: {  	[tilespmem:$0x64A0] =	vst v0;
	v0 =	vcvt.f32.s32 v2;
	v2 =	vtrunc.f32 v3;
	v3 =	vld [tilespmem:$0x120]  }
0x2c: {  	[tilespmem:$0x64B0] =	vst v1;
	v1 =	vcvt.f32.s32 v2;
	v2 =	vtrunc.f32 v4;
	v4 =	vld [tilespmem:$0x130]  }
0x2d: {  	[tilespmem:$0x64C0] =	vst v0;
	v0 =	vcvt.f32.s32 v2;
	v2 =	vtrunc.f32 v5;
	v5 =	vld [tilespmem:$0x140]  }
0x2e: {  	[tilespmem:$0x64D0] =	vst v1;
	v1 =	vcvt.f32.s32 v2;
	v2 =	vtrunc.f32 v6;
	v6 =	vld [tilespmem:$0x150]  }
0x2f: {  	[tilespmem:$0x64E0] =	vst v0;
	v0 =	vcvt.f32.s32 v2;
	v2 =	vtrunc.f32 v7;
	v7 =	vld [tilespmem:$0x160]  }
0x30: {  	[tilespmem:$0x64F0] =	vst v1;
	v1 =	vcvt.f32.s32 v2;
	v2 =	vtrunc.f32 v3;
	v3 =	vld [tilespmem:$0x170]  }
0x31: {  	[tilespmem:$0x6500] =	vst v0;
	v0 =	vcvt.f32.s32 v2;
	v2 =	vtrunc.f32 v4;
	v4 =	vld [tilespmem:$0x180]  }
0x32: {  	[tilespmem:$0x6510] =	vst v1;
	v1 =	vcvt.f32.s32 v2;
	v2 =	vtrunc.f32 v5;
	v5 =	vld [tilespmem:$0x190]  }
0x33: {  	[tilespmem:$0x6520] =	vst v0;
	v0 =	vcvt.f32.s32 v2;
	v2 =	vtrunc.f32 v6;
	v6 =	vld [tilespmem:$0x1A0]  }
0x34: {  	[tilespmem:$0x6530] =	vst v1;
	v1 =	vcvt.f32.s32 v2;
	v2 =	vtrunc.f32 v7;
	v7 =	vld [tilespmem:$0x1B0]  }
0x35: {  	[tilespmem:$0x6540] =	vst v0;
	v0 =	vcvt.f32.s32 v2;
	v2 =	vtrunc.f32 v3;
	v3 =	vld [tilespmem:$0x1C0]  }
0x36: {  	[tilespmem:$0x6550] =	vst v1;
	v1 =	vcvt.f32.s32 v2;
	v2 =	vtrunc.f32 v4;
	v4 =	vld [tilespmem:$0x1D0]  }
0x37: {  	[tilespmem:$0x6560] =	vst v0;
	v0 =	vcvt.f32.s32 v2;
	v2 =	vtrunc.f32 v5;
	v5 =	vld [tilespmem:$0x1E0]  }
0x38: {  	[tilespmem:$0x6570] =	vst v1;
	v1 =	vcvt.f32.s32 v2;
	v2 =	vtrunc.f32 v6;
	v6 =	vld [tilespmem:$0x1F0]  }
0x39: {  	[tilespmem:$0x6580] =	vst v0;
	v0 =	vcvt.f32.s32 v2;
	v2 =	vtrunc.f32 v7;
	v7 =	vld [tilespmem:$0x200]  }
0x3a: {  	[tilespmem:$0x6590] =	vst v1;
	v1 =	vcvt.f32.s32 v2;
	v2 =	vtrunc.f32 v3;
	v3 =	vld [tilespmem:$0x210]  }
0x3b: {  	[tilespmem:$0x65A0] =	vst v0;
	v0 =	vcvt.f32.s32 v2;
	v2 =	vtrunc.f32 v4;
	v4 =	vld [tilespmem:$0x220]  }
0x3c: {  	[tilespmem:$0x65B0] =	vst v1;
	v1 =	vcvt.f32.s32 v2;
	v2 =	vtrunc.f32 v5;
	v5 =	vld [tilespmem:$0x230]  }
0x3d: {  	[tilespmem:$0x65C0] =	vst v0;
	v0 =	vcvt.f32.s32 v2;
	v2 =	vtrunc.f32 v6;
	v6 =	vld [tilespmem:$0x240]  }
0x3e: {  	[tilespmem:$0x65D0] =	vst v1;
	v1 =	vcvt.f32.s32 v2;
	v2 =	vtrunc.f32 v7;
	v7 =	vld [tilespmem:$0x250]  }
0x3f: {  	[tilespmem:$0x65E0] =	vst v0;
	v0 =	vcvt.f32.s32 v2;
	v2 =	vtrunc.f32 v3;
	v3 =	vld [tilespmem:$0x260]  }
0x40: {  	[tilespmem:$0x65F0] =	vst v1;
	v1 =	vcvt.f32.s32 v2;
	v2 =	vtrunc.f32 v4;
	v4 =	vld [tilespmem:$0x270]  }
0x41: {  	[tilespmem:$0x6600] =	vst v0;
	v0 =	vcvt.f32.s32 v2;
	v2 =	vtrunc.f32 v5;
	v5 =	vld [tilespmem:$0x280]  }
0x42: {  	[tilespmem:$0x6610] =	vst v1;
	v1 =	vcvt.f32.s32 v2;
	v2 =	vtrunc.f32 v6;
	v6 =	vld [tilespmem:$0x290]  }
0x43: {  	[tilespmem:$0x6620] =	vst v0;
	v0 =	vcvt.f32.s32 v2;
	v2 =	vtrunc.f32 v7;
	v7 =	vld [tilespmem:$0x2A0]  }
0x44: {  	[tilespmem:$0x6630] =	vst v1;
	v1 =	vcvt.f32.s32 v2;
	v2 =	vtrunc.f32 v3;
	v3 =	vld [tilespmem:$0x2B0]  }
0x45: {  	[tilespmem:$0x6640] =	vst v0;
	v0 =	vcvt.f32.s32 v2;
	v2 =	vtrunc.f32 v4;
	v4 =	vld [tilespmem:$0x2C0]  }
0x46: {  	[tilespmem:$0x6650] =	vst v1;
	v1 =	vcvt.f32.s32 v2;
	v2 =	vtrunc.f32 v5;
	v5 =	vld [tilespmem:$0x2D0]  }
0x47: {  	[tilespmem:$0x6660] =	vst v0;
	v0 =	vcvt.f32.s32 v2;
	v2 =	vtrunc.f32 v6;
	v6 =	vld [tilespmem:$0x2E0]  }
0x48: {  	[tilespmem:$0x6670] =	vst v1;
	v1 =	vcvt.f32.s32 v2;
	v2 =	vtrunc.f32 v7;
	v7 =	vld [tilespmem:$0x2F0]  }
0x49: {  	[tilespmem:$0x6680] =	vst v0;
	v0 =	vcvt.f32.s32 v2;
	v2 =	vtrunc.f32 v3;
	v3 =	vld [tilespmem:$0x300]  }
0x4a: {  	[tilespmem:$0x6690] =	vst v1;
	v1 =	vcvt.f32.s32 v2;
	v2 =	vtrunc.f32 v4;
	v4 =	vld [tilespmem:$0x310]  }
0x4b: {  	[tilespmem:$0x66A0] =	vst v0;
	v0 =	vcvt.f32.s32 v2;
	v2 =	vtrunc.f32 v5;
	v5 =	vld [tilespmem:$0x320]  }
0x4c: {  	[tilespmem:$0x66B0] =	vst v1;
	v1 =	vcvt.f32.s32 v2;
	v2 =	vtrunc.f32 v6;
	v6 =	vld [tilespmem:$0x330]  }
0x4d: {  	[tilespmem:$0x66C0] =	vst v0;
	v0 =	vcvt.f32.s32 v2;
	v2 =	vtrunc.f32 v7;
	v7 =	vld [tilespmem:$0x340]  }
0x4e: {  	[tilespmem:$0x66D0] =	vst v1;
	v1 =	vcvt.f32.s32 v2;
	v2 =	vtrunc.f32 v3;
	v3 =	vld [tilespmem:$0x350]  }
0x4f: {  	[tilespmem:$0x66E0] =	vst v0;
	v0 =	vcvt.f32.s32 v2;
	v2 =	vtrunc.f32 v4;
	v4 =	vld [tilespmem:$0x360]  }
0x50: {  	[tilespmem:$0x66F0] =	vst v1;
	v1 =	vcvt.f32.s32 v2;
	v2 =	vtrunc.f32 v5;
	v5 =	vld [tilespmem:$0x370]  }
0x51: {  	[tilespmem:$0x6700] =	vst v0;
	v0 =	vcvt.f32.s32 v2;
	v2 =	vtrunc.f32 v6;
	v6 =	vld [tilespmem:$0x380]  }
0x52: {  	[tilespmem:$0x6710] =	vst v1;
	v1 =	vcvt.f32.s32 v2;
	v2 =	vtrunc.f32 v7;
	v7 =	vld [tilespmem:$0x390]  }
0x53: {  	[tilespmem:$0x6720] =	vst v0;
	v0 =	vcvt.f32.s32 v2;
	v2 =	vtrunc.f32 v3;
	v3 =	vld [tilespmem:$0x3A0]  }
0x54: {  	[tilespmem:$0x6730] =	vst v1;
	v1 =	vcvt.f32.s32 v2;
	v2 =	vtrunc.f32 v4;
	v4 =	vld [tilespmem:$0x3B0]  }
0x55: {  	[tilespmem:$0x6740] =	vst v0;
	v0 =	vcvt.f32.s32 v2;
	v2 =	vtrunc.f32 v5;
	v5 =	vld [tilespmem:$0x3C0]  }
0x56: {  	[tilespmem:$0x6750] =	vst v1;
	v1 =	vcvt.f32.s32 v2;
	v2 =	vtrunc.f32 v6;
	v6 =	vld [tilespmem:$0x3D0]  }
0x57: {  	[tilespmem:$0x6760] =	vst v0;
	v0 =	vcvt.f32.s32 v2;
	v2 =	vtrunc.f32 v7;
	v7 =	vld [tilespmem:$0x3E0]  }
0x58: {  	[tilespmem:$0x6770] =	vst v1;
	v1 =	vcvt.f32.s32 v2;
	v2 =	vtrunc.f32 v3;
	v3 =	vld [tilespmem:$0x3F0]  }
0x59: {  	[tilespmem:$0x6780] =	vst v0;
	v0 =	vcvt.f32.s32 v2;
	v2 =	vtrunc.f32 v4  }
0x5a: {  	[tilespmem:$0x6790] =	vst v1;
	v1 =	vcvt.f32.s32 v2;
	v2 =	vtrunc.f32 v5  }
0x5b: {  	[tilespmem:$0x67A0] =	vst v0;
	v0 =	vcvt.f32.s32 v2;
	v2 =	vtrunc.f32 v6  }
0x5c: {  	[tilespmem:$0x67B0] =	vst v1;
	v1 =	vcvt.f32.s32 v2;
	v2 =	vtrunc.f32 v7  }
0x5d: {  	[tilespmem:$0x67C0] =	vst v0;
	v0 =	vcvt.f32.s32 v2;
	v2 =	vtrunc.f32 v3  }
0x5e: {  	[tilespmem:$0x67D0] =	vst v1;
	v1 =	vcvt.f32.s32 v2  }
0x5f: {  	[tilespmem:$0x67E0] =	vst v0  }
0x60: {  	s22 =	simm.s32 $0x6400;
	[tilespmem:$0x67F0] =	vst v1  }
0x61: {  	[tilespmem:s13], [sflag:$0x1] =	stream.indirect.gather [hbm4b:s3+s11], $0x40, s22, s11, $0xb8;
	[tilespmem:$0x1C800] =	vst v63  }
0x62: {  	s12 =	simm.s32 $0x6480  }
0x63: {  	[tilespmem:s15], [sflag:$0x1] =	stream.indirect.gather [hbm4b:s3+s11], $0x40, s12, s11, $0xb8;
	[tilespmem:$0x1C800] =	vst v63  }
0x64: {  	s14 =	simm.s32 $0x6500  }
0x65: {  	[tilespmem:s17], [sflag:$0x1] =	stream.indirect.gather [hbm4b:s3+s11], $0x40, s14, s11, $0xb8;
	[tilespmem:$0x1C800] =	vst v63  }
0x66: {  	s16 =	simm.s32 $0x6580  }
0x67: {  	[tilespmem:s19], [sflag:$0x1] =	stream.indirect.gather [hbm4b:s3+s11], $0x40, s16, s11, $0xb8;
	[tilespmem:$0x1C800] =	vst v63  }
0x68: {  	s20 =	simm.s32 $0x6600  }
0x69: {  	[tilespmem:s21], [sflag:$0x2] =	stream.indirect.gather [hbm4b:s3+s11], $0x40, s20, s11, $0xb8;
	[tilespmem:$0x1C800] =	vst v63  }
0x6a: {  	s22 =	simm.s32 $0x6680  }
0x6b: {  	[tilespmem:s23], [sflag:$0x2] =	stream.indirect.gather [hbm4b:s3+s11], $0x40, s22, s11, $0xb8;
	[tilespmem:$0x1C800] =	vst v63  }
0x6c: {  	_ = 	snop  }
0x6d: {  	[tilespmem:s25], [sflag:$0x2] =	stream.indirect.gather [hbm4b:s3+s11], $0x40, s24, s11, $0xb8;
	[tilespmem:$0x1C800] =	vst v63  }
0x6e: {  	s14 =	simm.s32 $0x0  }
0x6f: {  	[tilespmem:s28], [sflag:$0x2] =	stream.indirect.gather [hbm4b:s3+s11], $0x40, s26, s11, $0xb8;
	[tilespmem:$0x1C800] =	vst v63  }
0x70: {  	v1 =	vld [tilespmem:s14+$0x470]  }
0x71: {  	v3 =	vld [tilespmem:s14+$0x400]  }
0x72: {  	v7 =	vld [tilespmem:s14+$0x410]  }
0x73: {  	v4 =	vld [tilespmem:s14+$0x420]  }
0x74: {  	v2 =	vld [tilespmem:s14+$0x430]  }
0x75: {  	v0 =	vld [tilespmem:s14+$0x440];
	v5 =	vtrunc.f32 v1  }
0x76: {  	v3 =	vtrunc.f32 v3;
	v1 =	vld [tilespmem:s14+$0x450];
	v5 =	vcvt.f32.s32 v5  }
0x77: {  	s9 =	simm.s32 $0x400;
	s12 =	simm.s32 $0x80;
	v7 =	vtrunc.f32 v7;
	v6 =	vcvt.f32.s32 v3;
	v3 =	vld [tilespmem:s14+$0x460]  }
.LBB2_2:
0x78: {  	p0 =	sne.s32 s9, $0x17E00;
	v8 =	vld [tilespmem:s12+$0x470];
	v7 =	vcvt.f32.s32 v7;
	v4 =	vtrunc.f32 v4;
	[tilespmem:s14+$0x6870] =	vst v5  }
0x79: {  	v5 =	vld [tilespmem:s12+$0x400];
	[tilespmem:s14+$0x6800] =	vst v6;
	v6 =	vcvt.f32.s32 v4;
	v2 =	vtrunc.f32 v2  }
0x7a: {  	v9 =	vld [tilespmem:s12+$0x410];
	[tilespmem:s14+$0x6810] =	vst v7;
	v7 =	vcvt.f32.s32 v2;
	v0 =	vtrunc.f32 v0  }
.Ltmp0:
0x7b: {  	v4 =	vld [tilespmem:s12+$0x420];
	[tilespmem:s14+$0x6820] =	vst v6;
	v6 =	vcvt.f32.s32 v0;
	v0 =	vtrunc.f32 v1;
	(pc) =	sbr.rel @p0 .LBB2_2-.Ltmp0, $4  }
0x7c: {  	v2 =	vld [tilespmem:s12+$0x430];
	[tilespmem:s14+$0x6830] =	vst v7;
	v7 =	vcvt.f32.s32 v0;
	v1 =	vtrunc.f32 v3  }
0x7d: {  	v0 =	vld [tilespmem:s12+$0x440];
	v3 =	vtrunc.f32 v8;
	[tilespmem:s14+$0x6840] =	vst v6;
	v8 =	vcvt.f32.s32 v1  }
0x7e: {  	v6 =	vtrunc.f32 v5;
	v1 =	vld [tilespmem:s12+$0x450];
	v5 =	vcvt.f32.s32 v3;
	[tilespmem:s14+$0x6850] =	vst v7  }
0x7f: {  	v6 =	vcvt.f32.s32 v6;
	v7 =	vtrunc.f32 v9;
	v3 =	vld [tilespmem:s12+$0x460];
	[tilespmem:s14+$0x6860] =	vst v8;
	s14 =	smov.u32 s12;
	s12 =	sshra.s32 s9, $0x2;
	s9 =	sadd.s32 $0x200, s9  }
0x80: {  	v8 =	vld [tilespmem:s12+$0x470];
	[tilespmem:s14+$0x6870] =	vst v5;
	v7 =	vcvt.f32.s32 v7;
	v4 =	vtrunc.f32 v4  }
0x81: {  	v5 =	vld [tilespmem:s12+$0x400];
	[tilespmem:s14+$0x6800] =	vst v6;
	v4 =	vcvt.f32.s32 v4;
	v2 =	vtrunc.f32 v2  }
0x82: {  	v6 =	vld [tilespmem:s12+$0x410];
	[tilespmem:s14+$0x6810] =	vst v7;
	v2 =	vcvt.f32.s32 v2;
	v0 =	vtrunc.f32 v0  }
0x83: {  	v7 =	vld [tilespmem:s12+$0x420];
	[tilespmem:s14+$0x6820] =	vst v4;
	v0 =	vcvt.f32.s32 v0;
	v1 =	vtrunc.f32 v1  }
0x84: {  	v4 =	vld [tilespmem:s12+$0x430];
	[tilespmem:s14+$0x6830] =	vst v2;
	v1 =	vcvt.f32.s32 v1;
	v50 =	vtrunc.f32 v3  }
0x85: {  	v2 =	vld [tilespmem:s12+$0x440];
	[tilespmem:s14+$0x6840] =	vst v0;
	v8 =	vtrunc.f32 v8;
	v0 =	vcvt.f32.s32 v50  }
0x86: {  	v51 =	vld [tilespmem:s12+$0x450];
	[tilespmem:s14+$0x6850] =	vst v1;
	v52 =	vtrunc.f32 v5;
	v53 =	vcvt.f32.s32 v8  }
0x87: {  	v54 =	vld [tilespmem:s12+$0x460];
	v1 =	vcvt.f32.s32 v52;
	v6 =	vtrunc.f32 v6;
	[tilespmem:s14+$0x6860] =	vst v0  }
0x88: {  	v55 =	vcvt.f32.s32 v6;
	v56 =	vtrunc.f32 v7;
	[tilespmem:s12+$0x6870] =	vst v53  }
0x89: {  	[tilespmem:s12+$0x6800] =	vst v1;
	v57 =	vcvt.f32.s32 v56;
	v4 =	vtrunc.f32 v4  }
0x8a: {  	[tilespmem:s12+$0x6810] =	vst v55;
	v58 =	vcvt.f32.s32 v4;
	v2 =	vtrunc.f32 v2  }
0x8b: {  	[tilespmem:s12+$0x6820] =	vst v57;
	v59 =	vcvt.f32.s32 v2;
	v60 =	vtrunc.f32 v51  }
0x8c: {  	[tilespmem:s12+$0x6830] =	vst v58;
	v61 =	vcvt.f32.s32 v60;
	v62 =	vtrunc.f32 v54  }
0x8d: {  	[tilespmem:s12+$0x6840] =	vst v59;
	v63 =	vcvt.f32.s32 v62  }
0x8e: {  	[tilespmem:s12+$0x6850] =	vst v61  }
0x8f: {  	[tilespmem:s12+$0x6860] =	vst v63  }
0x90: {  	_ =	swait.ge [sflag:s29], $0x8000  }
0x91: {  	[sflag:s29] =	ssyncset.done $0x0  }
0x92: {  	[sflag:s29] =	ssyncadd.s32 $0xFFFF8000  }
0x93: {  	[hbm4b:s5+s30] =	stream.strided.scatter [tilespmem:s13], [sflag:$0x3], $0x8000, s11, s30, $0x38;
	[tilespmem:$0x1C800] =	vst v63  }
0x94: {  	_ =	swait.ge [sflag:s31], $0x8000  }
0x95: {  	[sflag:s31] =	ssyncset.done $0x0  }
0x96: {  	[sflag:s31] =	ssyncadd.s32 $0xFFFF8000  }
0x97: {  	_ =	swait.ge [sflag:s1], $0x8000  }
0x98: {  	[sflag:s1] =	ssyncset.done $0x0  }
0x99: {  	s9 =	simm.s32 $0x6800;
	[sflag:s1] =	ssyncadd.s32 $0xFFFF8000  }
0x9a: {  	[tilespmem:s13], [sflag:$0x1] =	stream.indirect.gather [hbm4b:s3+s11], $0x40, s9, s11, $0xb8;
	[tilespmem:$0x1C800] =	vst v63  }
0x9b: {  	s20 =	simm.s32 $0x6880  }
0x9c: {  	[tilespmem:s15], [sflag:$0x1] =	stream.indirect.gather [hbm4b:s3+s11], $0x40, s20, s11, $0xb8;
	[tilespmem:$0x1C800] =	vst v63  }
0x9d: {  	s22 =	simm.s32 $0x6900  }
0x9e: {  	[tilespmem:s17], [sflag:$0x1] =	stream.indirect.gather [hbm4b:s3+s11], $0x40, s22, s11, $0xb8;
	[tilespmem:$0x1C800] =	vst v63  }
0x9f: {  	s12 =	simm.s32 $0x6980  }
0xa0: {  	[tilespmem:s19], [sflag:$0x1] =	stream.indirect.gather [hbm4b:s3+s11], $0x40, s12, s11, $0xb8;
	[tilespmem:$0x1C800] =	vst v63  }
0xa1: {  	_ = 	snop  }
0xa2: {  	[hbm4b:s8+s30] =	stream.strided.scatter [tilespmem:s21], [sflag:$0x4], $0x8000, s11, s30, $0x38;
	[tilespmem:$0x1C800] =	vst v63  }
0xa3: {  	_ =	swait.ge [sflag:s29], $0x8000  }
0xa4: {  	[sflag:s29] =	ssyncset.done $0x0  }
0xa5: {  	[sflag:s29] =	ssyncadd.s32 $0xFFFF8000  }
0xa6: {  	_ =	swait.ge [sflag:s0], $0x8000  }
0xa7: {  	[sflag:s0] =	ssyncset.done $0x0  }
0xa8: {  	s14 =	simm.s32 $0x6A00;
	[sflag:s0] =	ssyncadd.s32 $0xFFFF8000  }
0xa9: {  	[tilespmem:s21], [sflag:$0x2] =	stream.indirect.gather [hbm4b:s3+s11], $0x40, s14, s11, $0xb8;
	[tilespmem:$0x1C800] =	vst v63  }
0xaa: {  	s16 =	simm.s32 $0x6A80  }
0xab: {  	[tilespmem:s23], [sflag:$0x2] =	stream.indirect.gather [hbm4b:s3+s11], $0x40, s16, s11, $0xb8;
	[tilespmem:$0x1C800] =	vst v63  }
0xac: {  	s9 =	smov.u32 s18;
	s20 =	simm.s32 $0x6B00;
	s22 =	simm.s32 $0x6B80  }
0xad: {  	[tilespmem:s25], [sflag:$0x2] =	stream.indirect.gather [hbm4b:s3+s11], $0x40, s20, s11, $0xb8;
	[tilespmem:$0x1C800] =	vst v63  }
0xae: {  	s12 =	simm.s32 $0x1000;
	s14 =	sadd.s32 $0x4000, s8;
	s16 =	sadd.s32 $0x4000, s18  }
0xaf: {  	[tilespmem:s28], [sflag:$0x2] =	stream.indirect.gather [hbm4b:s3+s11], $0x40, s22, s11, $0xb8;
	[tilespmem:$0x1C800] =	vst v63  }
.LBB2_4:
0xb0: {  	[hbm4b:s9+s30] =	stream.strided.scatter [tilespmem:s13], [sflag:$0x3], $0x8000, s11, s30, $0x38;
	[tilespmem:$0x1C800] =	vst v63  }
0xb1: {  	s20 =	smov.u32 s12;
	s9 =	smov.u32 s16  }
0xb2: {  	p0 =	sne.s32 s12, $0x17000;
	s12 =	sadd.s32 $0x1000, s12;
	_ =	swait.ge [sflag:s31], $0x8000  }
0xb3: {  	[sflag:s31] =	ssyncset.done $0x0  }
0xb4: {  	[sflag:s31] =	ssyncadd.s32 $0xFFFF8000  }
0xb5: {  	_ =	swait.ge [sflag:s1], $0x8000  }
0xb6: {  	s20 =	sshra.s32 s20, $0x2;
	[sflag:s1] =	ssyncset.done $0x0  }
0xb7: {  	s22 =	sadd.s32 $0x6800, s20;
	[sflag:s1] =	ssyncadd.s32 $0xFFFF8000  }
0xb8: {  	[tilespmem:s13], [sflag:$0x1] =	stream.indirect.gather [hbm4b:s3+s11], $0x40, s22, s11, $0xb8;
	[tilespmem:$0x1C800] =	vst v63  }
0xb9: {  	s22 =	sadd.s32 $0x6880, s20  }
0xba: {  	[tilespmem:s15], [sflag:$0x1] =	stream.indirect.gather [hbm4b:s3+s11], $0x40, s22, s11, $0xb8;
	[tilespmem:$0x1C800] =	vst v63  }
0xbb: {  	s22 =	sadd.s32 $0x6900, s20  }
0xbc: {  	[tilespmem:s17], [sflag:$0x1] =	stream.indirect.gather [hbm4b:s3+s11], $0x40, s22, s11, $0xb8;
	[tilespmem:$0x1C800] =	vst v63  }
0xbd: {  	s22 =	sadd.s32 $0x6980, s20  }
0xbe: {  	[tilespmem:s19], [sflag:$0x1] =	stream.indirect.gather [hbm4b:s3+s11], $0x40, s22, s11, $0xb8;
	[tilespmem:$0x1C800] =	vst v63  }
0xbf: {  	_ = 	snop  }
0xc0: {  	[hbm4b:s14+s30] =	stream.strided.scatter [tilespmem:s21], [sflag:$0x4], $0x8000, s11, s30, $0x38;
	[tilespmem:$0x1C800] =	vst v63  }
0xc1: {  	_ =	swait.ge [sflag:s29], $0x8000  }
0xc2: {  	[sflag:s29] =	ssyncset.done $0x0  }
0xc3: {  	[sflag:s29] =	ssyncadd.s32 $0xFFFF8000  }
0xc4: {  	_ =	swait.ge [sflag:s0], $0x8000  }
0xc5: {  	[sflag:s0] =	ssyncset.done $0x0  }
0xc6: {  	s22 =	sadd.s32 $0x6A00, s20;
	[sflag:s0] =	ssyncadd.s32 $0xFFFF8000  }
0xc7: {  	[tilespmem:s21], [sflag:$0x2] =	stream.indirect.gather [hbm4b:s3+s11], $0x40, s22, s11, $0xb8;
	[tilespmem:$0x1C800] =	vst v63  }
0xc8: {  	s22 =	sadd.s32 $0x6A80, s20  }
0xc9: {  	[tilespmem:s23], [sflag:$0x2] =	stream.indirect.gather [hbm4b:s3+s11], $0x40, s22, s11, $0xb8;
	[tilespmem:$0x1C800] =	vst v63  }
.Ltmp1:
0xca: {  	s22 =	sadd.s32 $0x6B00, s20;
	(pc) =	sbr.rel @p0 .LBB2_4-.Ltmp1, $4  }
0xcb: {  	[tilespmem:s25], [sflag:$0x2] =	stream.indirect.gather [hbm4b:s3+s11], $0x40, s22, s11, $0xb8;
	[tilespmem:$0x1C800] =	vst v63  }
0xcc: {  	s20 =	sadd.s32 $0x6B80, s20  }
0xcd: {  	[tilespmem:s28], [sflag:$0x2] =	stream.indirect.gather [hbm4b:s3+s11], $0x40, s20, s11, $0xb8;
	[tilespmem:$0x1C800] =	vst v63  }
0xce: {  	s16 =	sadd.s32 $0x4000, s16;
	s14 =	sadd.s32 $0x4000, s14  }
0xcf: {  	[hbm4b:s9+s30] =	stream.strided.scatter [tilespmem:s13], [sflag:$0x3], $0x8000, s11, s30, $0x38;
	[tilespmem:$0x1C800] =	vst v63  }
0xd0: {  	_ =	swait.ge [sflag:s31], $0x8000  }
0xd1: {  	[sflag:s31] =	ssyncset.done $0x0  }
0xd2: {  	[sflag:s31] =	ssyncadd.s32 $0xFFFF8000  }
0xd3: {  	s2 =	sadd.s32 $0x1, s2;
	_ =	swait.ge [sflag:s1], $0x8000  }
0xd4: {  	p0 =	sne.s32 s2, s7;
	[sflag:s1] =	ssyncset.done $0x0  }
.Ltmp2:
0xd5: {  	[sflag:s1] =	ssyncadd.s32 $0xFFFF8000;
	(pc) =	sbr.rel @p0 .LBB2_1-.Ltmp2, $4  }
0xd6: {  	[hbm4b:s6+s30] =	stream.strided.scatter [tilespmem:s21], [sflag:$0x4], $0x8000, s11, s30, $0x38;
	[tilespmem:$0x1C800] =	vst v63  }
0xd7: {  	_ =	swait.ge [sflag:s0], $0x8000  }
0xd8: {  	[sflag:s0] =	ssyncset.done $0x0  }
0xd9: {  	[sflag:s0] =	ssyncadd.s32 $0xFFFF8000  }
0xda: {  	_ =	sfence.sel $0x180000  }
0xdb: {  	[bflag:$0x0] =	sbarrier.arrive $0xFFFF  }
0xdc: {  	_ =	strace $0x90000047  }
0xdd: {  	s0 =	stileid.u32;
	[bflag:$0x2] =	sbarrier.arrive $0xFFFF  }
0xde: {  	p0 =	sne.s32 s0, $0x0;
	s0 =	rddreg [dreg:$0x3]  }
0xdf: {  	s0 =	sadd.s32 @!p0 $0x100000, s0  }
0xe0: {  	[sflag:s0] =	ssyncadd.tile.s32 @!p0 $0x1;
	_ =	shalt  }
.Lfunc_end2:
_tile_overlayer_lowered:
.L_overlay_start_2:
0xe1: {  	(tag) =	ssettag $0x2  }
0xe2: {  	s0 =	rddreg [dreg:$0x0];
	s2 =	stileid.u32  }
0xe3: {  	s1 =	rddreg [dreg:$0x1];
	p0 =	sne.s32 s2, $0x0  }
0xe4: {  	s3 =	rddreg [dreg:$0x2];
	[bflag:$0x3] =	sbarrier.arrive $0xFFFF;
	s2 =	simm.s32 @!p0 $0x1C05  }
0xe5: {  	[timem:s3], [sflag:s2] =	dma.local @!p0 [hbm:s0], s1  }
0xe6: {  	s0 =	simm.s32 @!p0 $0x5  }
0xe7: {  	_ =	swait.ge @!p0 [sflag:s0], s1  }
0xe8: {  	s1 =	ssub.s32 @!p0 $0x0, s1;
	[sflag:s0] =	ssyncset.done @!p0 $0x0  }
0xe9: {  	[sflag:s0] =	ssyncadd.s32 @!p0 s1  }
0xea: {  	[bflag:$0x3] =	sbarrier.arrive $0xFFFF  }
0xeb: {  	_ =	shalt  }

</sc_bundles>
